<compile_context>
chip_gen: v7x
topology: tpu7x:2x2x1
jax: 0.10.2.dev20260603
libtpu: 0.0.44.dev20260713+nightly
codegen_flags: <defaults>
</compile_context>

<pallas_src>
import functools

import jax
import jax.numpy as jnp
from jax import lax
from jax.experimental import pallas as pl
from jax.experimental.pallas import tpu as pltpu
from jax.experimental.pallas import tpu_sc as plsc

B = 4096
V = 100000
D = 32
N_CAT_A = 26
N_CAT_B = 13

NC = 2
NS = 16
NW = NC * NS
BPW = B // NW

_mesh = plsc.VectorSubcoreMesh(core_axis_name="c", subcore_axis_name="s")


@functools.partial(
    pl.kernel,
    out_type=(
        jax.ShapeDtypeStruct((B, N_CAT_A, D), jnp.float32),
        jax.ShapeDtypeStruct((B, N_CAT_A, D), jnp.float32),
    ),
    mesh=_mesh,
    scratch_types=[
        pltpu.VMEM((BPW, N_CAT_A), jnp.int32),
        pltpu.VMEM((BPW, N_CAT_B), jnp.int32),
        pltpu.VMEM((BPW, N_CAT_B), jnp.float32),
        pltpu.VMEM((N_CAT_B, D), jnp.float32),
        pltpu.VMEM((N_CAT_B, D), jnp.float32),
        pltpu.VMEM((BPW,), jnp.int32),
        pltpu.VMEM((BPW, D), jnp.float32),
        pltpu.SemaphoreType.DMA,
    ],
    compiler_params=pltpu.CompilerParams(
        use_tc_tiling_on_sc=False, needs_layout_passes=False),
)
def _embed(embA, tabA, embB, tabB, num, linW, linB, outA, outB,
           idxblkA, idxblkB, numblk, wv, bv, idxv, rowv, sem):
    wid = lax.axis_index("s") * NC + lax.axis_index("c")
    b0 = wid * BPW

    pltpu.sync_copy(tabA.at[pl.ds(b0, BPW), :], idxblkA)
    pltpu.sync_copy(tabB.at[pl.ds(b0, BPW), :], idxblkB)
    pltpu.sync_copy(num.at[pl.ds(b0, BPW), :], numblk)
    pltpu.sync_copy(linW, wv)
    pltpu.sync_copy(linB, bv)

    iota16 = lax.iota(jnp.int32, 16)

    def gather_col(c, emb, idxblk, out):
        c16 = jnp.full((16,), c, dtype=jnp.int32)
        for bb in range(BPW // 16):
            i16 = bb * 16 + iota16
            idxv[pl.ds(bb * 16, 16)] = plsc.load_gather(idxblk, [i16, c16])
        pltpu.async_copy(emb.at[c].at[idxv], rowv, sem).wait()
        pltpu.sync_copy(rowv, out.at[pl.ds(b0, BPW), c])

    def body_a(c, carry):
        gather_col(c, embA, idxblkA, outA)
        return carry

    lax.fori_loop(0, N_CAT_A, body_a, 0)

    def body_b(c, carry):
        gather_col(c, embB, idxblkB, outB)
        return carry

    lax.fori_loop(0, N_CAT_B, body_b, 0)

    def body_num(c, carry):
        c16 = jnp.full((16,), c, dtype=jnp.int32)
        w0 = wv[c, pl.ds(0, 16)]
        w1 = wv[c, pl.ds(16, 16)]
        v0 = bv[c, pl.ds(0, 16)]
        v1 = bv[c, pl.ds(16, 16)]

        def body_row(bb, inner):
            nums = plsc.load_gather(numblk, [bb * 16 + iota16, c16])
            for k in range(16):
                s = nums[k]
                rowv[bb * 16 + k, pl.ds(0, 16)] = s * w0 + v0
                rowv[bb * 16 + k, pl.ds(16, 16)] = s * w1 + v1
            return inner

        lax.fori_loop(0, BPW // 16, body_row, 0)
        pltpu.sync_copy(rowv, outB.at[pl.ds(b0, BPW), N_CAT_B + c])
        return carry

    lax.fori_loop(0, N_CAT_B, body_num, 0)


def kernel(tableA_cat, tableB_cat, tableB_num, embA, embB, linW, linB):
    outA, outB = _embed(embA, tableA_cat.astype(jnp.int32), embB,
                        tableB_cat.astype(jnp.int32), tableB_num, linW, linB)
    return (outA, outB)

# --- scband reference (transcript-rebuilt; emitter-appended) ---
"""Pipeline reference for scband-dbembedder-18786186953111 (READ-ONLY COPY).

The authoritative reference and input builder live on the scoring server;
editing this copy changes nothing except your own understanding.
"""

import jax, jax.numpy as jnp
import numpy as np

B = 4096
VOCAB = 100000
EMBED_DIM = 32
N_CAT_A = 26
N_CAT_B = 13
N_NUM_B = 13


def setup_inputs(seed: int = 0) -> dict:
    key = jax.random.key(seed)
    ks = jax.random.split(key, 7)
    tableA_cat = jax.random.randint(ks[0], (B, N_CAT_A), 0, VOCAB, dtype=jnp.int64) if jax.config.jax_enable_x64 else jax.random.randint(ks[0], (B, N_CAT_A), 0, VOCAB)
    tableB_cat = jax.random.randint(ks[1], (B, N_CAT_B), 0, VOCAB)
    tableB_num = jax.random.normal(ks[2], (B, N_NUM_B), dtype=jnp.float32)
    embA = jax.random.normal(ks[3], (N_CAT_A, VOCAB, EMBED_DIM), dtype=jnp.float32) * 0.02
    embB = jax.random.normal(ks[4], (N_CAT_B, VOCAB, EMBED_DIM), dtype=jnp.float32) * 0.02
    linW = jax.random.normal(ks[5], (N_NUM_B, EMBED_DIM), dtype=jnp.float32) * 0.02
    linB = jnp.zeros((N_NUM_B, EMBED_DIM), dtype=jnp.float32)
    return {
        "tableA_cat": tableA_cat,
        "tableB_cat": tableB_cat,
        "tableB_num": tableB_num,
        "embA": embA,
        "embB": embB,
        "linW": linW,
        "linB": linB,
    }


def _per_column_lookup(tables, indices):
    # tables: [n_cols, vocab, d]; indices: [batch, n_cols] -> [batch, n_cols, d]
    return jax.vmap(lambda t, i: jnp.take(t, i, axis=0), in_axes=(0, 1), out_axes=1)(tables, indices)


def reference(tableA_cat, tableB_cat, tableB_num, embA, embB, linW, linB):
    # Table A: 26 categorical columns, each with its own EmbeddingEncoder table.
    xA = _per_column_lookup(embA, tableA_cat)  # [B, 26, D]
    # Table B: 13 categorical columns + 13 numerical columns (LinearEncoder per column).
    xB_cat = _per_column_lookup(embB, tableB_cat)  # [B, 13, D]
    xB_num = tableB_num[:, :, None] * linW[None, :, :] + linB[None, :, :]  # [B, 13, D]
    xB = jnp.concatenate([xB_cat, xB_num], axis=1)  # [B, 26, D]
    # DBEmbedder returns a dict of per-table [batch, num_cols, embed_dim] tensors;
    # here returned as a tuple (tableA, tableB).
    return (xA, xB)

if __name__ == "__main__":
    import jax
    _d = setup_inputs()
    print(jax.jit(kernel)(*tuple(_d.values())))

</pallas_src>

<mosaic_0001>
#map = affine_map<(d0, d1) -> (0, 0, 0)>
#map1 = affine_map<(d0, d1) -> (0, 0)>
module attributes {stable_mosaic.version = 14 : i64} {
  func.func @_embed(%arg0: i32, %arg1: i32, %arg2: memref<26x100000x32xf32, #tpu.memory_space<hbm>>, %arg3: memref<4096x26xi32, #tpu.memory_space<hbm>>, %arg4: memref<13x100000x32xf32, #tpu.memory_space<hbm>>, %arg5: memref<4096x13xi32, #tpu.memory_space<hbm>>, %arg6: memref<4096x13xf32, #tpu.memory_space<hbm>>, %arg7: memref<13x32xf32, #tpu.memory_space<hbm>>, %arg8: memref<13x32xf32, #tpu.memory_space<hbm>>, %arg9: memref<4096x26x32xf32, #tpu.memory_space<hbm>>, %arg10: memref<4096x26x32xf32, #tpu.memory_space<hbm>>, %arg11: memref<128x26xi32, #tpu.memory_space<vmem>>, %arg12: memref<128x13xi32, #tpu.memory_space<vmem>>, %arg13: memref<128x13xf32, #tpu.memory_space<vmem>>, %arg14: memref<13x32xf32, #tpu.memory_space<vmem>>, %arg15: memref<13x32xf32, #tpu.memory_space<vmem>>, %arg16: memref<128xi32, #tpu.memory_space<vmem>>, %arg17: memref<128x32xf32, #tpu.memory_space<vmem>>, %arg18: memref<!tpu.dma_semaphore, #tpu.memory_space<semaphore_mem>>) attributes {dimension_semantics = [#tpu.dimension_semantics<core_parallel>, #tpu.dimension_semantics<subcore_parallel>], iteration_bounds = array<i64: 2, 16>, scalar_prefetch = 0 : i64, scratch_operands = 8 : i64, tpu.core_type = #tpu.core_type<sc_vector_subcore>, window_params = [{transform_indices = #map}, {transform_indices = #map1}, {transform_indices = #map}, {transform_indices = #map1}, {transform_indices = #map1}, {transform_indices = #map1}, {transform_indices = #map1}, {transform_indices = #map}, {transform_indices = #map}]} {
    %mul3A = arith.constant 2 : i32
    %mul3A_0 = arith.muli %arg1, %mul3A : i32
    %add3A = arith.addi %mul3A_0, %arg0 : i32
    %mul3A_1 = arith.constant 128 : i32
    %mul3A_2 = arith.muli %add3A, %mul3A_1 : i32
    "tpu.region"() ({
      %run_scoped3A = tpu.sem_alloc : memref<!tpu.dma_semaphore, #tpu.memory_space<semaphore_mem>>
      %dma_start3A = arith.constant 0 : i32
      %dma_start3A_20 = tpu.memref_slice %arg3[%mul3A_2, %dma_start3A] : memref<4096x26xi32, #tpu.memory_space<hbm>> -> memref<128x26xi32, #tpu.memory_space<hbm>>
      %dma_start3A_21 = arith.constant 0 : i32
      %dma_start3A_22 = tpu.memref_slice %arg3[%mul3A_2, %dma_start3A_21] : memref<4096x26xi32, #tpu.memory_space<hbm>> -> memref<128x26xi32, #tpu.memory_space<hbm>>
      tpu.enqueue_dma source(%dma_start3A_22 : memref<128x26xi32, #tpu.memory_space<hbm>>) target(%arg11 : memref<128x26xi32, #tpu.memory_space<vmem>>) target_semaphore(%run_scoped3A : memref<!tpu.dma_semaphore, #tpu.memory_space<semaphore_mem>>)
      %dma_wait3A = arith.constant 0 : i32
      %dma_wait3A_23 = tpu.memref_slice %arg3[%mul3A_2, %dma_wait3A] : memref<4096x26xi32, #tpu.memory_space<hbm>> -> memref<128x26xi32, #tpu.memory_space<hbm>>
      %dma_wait3A_24 = arith.constant 0 : i32
      %dma_wait3A_25 = tpu.memref_slice %arg3[%mul3A_2, %dma_wait3A_24] : memref<4096x26xi32, #tpu.memory_space<hbm>> -> memref<128x26xi32, #tpu.memory_space<hbm>>
      tpu.wait_dma2 semaphore(%run_scoped3A : memref<!tpu.dma_semaphore, #tpu.memory_space<semaphore_mem>>) src(%dma_wait3A_25 : memref<128x26xi32, #tpu.memory_space<hbm>>) dst(%arg11 : memref<128x26xi32, #tpu.memory_space<vmem>>)
      tpu.yield
    }) : () -> ()
    "tpu.region"() ({
      %run_scoped3A = tpu.sem_alloc : memref<!tpu.dma_semaphore, #tpu.memory_space<semaphore_mem>>
      %dma_start3A = arith.constant 0 : i32
      %dma_start3A_20 = tpu.memref_slice %arg5[%mul3A_2, %dma_start3A] : memref<4096x13xi32, #tpu.memory_space<hbm>> -> memref<128x13xi32, #tpu.memory_space<hbm>>
      %dma_start3A_21 = arith.constant 0 : i32
      %dma_start3A_22 = tpu.memref_slice %arg5[%mul3A_2, %dma_start3A_21] : memref<4096x13xi32, #tpu.memory_space<hbm>> -> memref<128x13xi32, #tpu.memory_space<hbm>>
      tpu.enqueue_dma source(%dma_start3A_22 : memref<128x13xi32, #tpu.memory_space<hbm>>) target(%arg12 : memref<128x13xi32, #tpu.memory_space<vmem>>) target_semaphore(%run_scoped3A : memref<!tpu.dma_semaphore, #tpu.memory_space<semaphore_mem>>)
      %dma_wait3A = arith.constant 0 : i32
      %dma_wait3A_23 = tpu.memref_slice %arg5[%mul3A_2, %dma_wait3A] : memref<4096x13xi32, #tpu.memory_space<hbm>> -> memref<128x13xi32, #tpu.memory_space<hbm>>
      %dma_wait3A_24 = arith.constant 0 : i32
      %dma_wait3A_25 = tpu.memref_slice %arg5[%mul3A_2, %dma_wait3A_24] : memref<4096x13xi32, #tpu.memory_space<hbm>> -> memref<128x13xi32, #tpu.memory_space<hbm>>
      tpu.wait_dma2 semaphore(%run_scoped3A : memref<!tpu.dma_semaphore, #tpu.memory_space<semaphore_mem>>) src(%dma_wait3A_25 : memref<128x13xi32, #tpu.memory_space<hbm>>) dst(%arg12 : memref<128x13xi32, #tpu.memory_space<vmem>>)
      tpu.yield
    }) : () -> ()
    "tpu.region"() ({
      %run_scoped3A = tpu.sem_alloc : memref<!tpu.dma_semaphore, #tpu.memory_space<semaphore_mem>>
      %dma_start3A = arith.constant 0 : i32
      %dma_start3A_20 = tpu.memref_slice %arg6[%mul3A_2, %dma_start3A] : memref<4096x13xf32, #tpu.memory_space<hbm>> -> memref<128x13xf32, #tpu.memory_space<hbm>>
      %dma_start3A_21 = arith.constant 0 : i32
      %dma_start3A_22 = tpu.memref_slice %arg6[%mul3A_2, %dma_start3A_21] : memref<4096x13xf32, #tpu.memory_space<hbm>> -> memref<128x13xf32, #tpu.memory_space<hbm>>
      tpu.enqueue_dma source(%dma_start3A_22 : memref<128x13xf32, #tpu.memory_space<hbm>>) target(%arg13 : memref<128x13xf32, #tpu.memory_space<vmem>>) target_semaphore(%run_scoped3A : memref<!tpu.dma_semaphore, #tpu.memory_space<semaphore_mem>>)
      %dma_wait3A = arith.constant 0 : i32
      %dma_wait3A_23 = tpu.memref_slice %arg6[%mul3A_2, %dma_wait3A] : memref<4096x13xf32, #tpu.memory_space<hbm>> -> memref<128x13xf32, #tpu.memory_space<hbm>>
      %dma_wait3A_24 = arith.constant 0 : i32
      %dma_wait3A_25 = tpu.memref_slice %arg6[%mul3A_2, %dma_wait3A_24] : memref<4096x13xf32, #tpu.memory_space<hbm>> -> memref<128x13xf32, #tpu.memory_space<hbm>>
      tpu.wait_dma2 semaphore(%run_scoped3A : memref<!tpu.dma_semaphore, #tpu.memory_space<semaphore_mem>>) src(%dma_wait3A_25 : memref<128x13xf32, #tpu.memory_space<hbm>>) dst(%arg13 : memref<128x13xf32, #tpu.memory_space<vmem>>)
      tpu.yield
    }) : () -> ()
    "tpu.region"() ({
      %run_scoped3A = tpu.sem_alloc : memref<!tpu.dma_semaphore, #tpu.memory_space<semaphore_mem>>
      tpu.enqueue_dma source(%arg7 : memref<13x32xf32, #tpu.memory_space<hbm>>) target(%arg14 : memref<13x32xf32, #tpu.memory_space<vmem>>) target_semaphore(%run_scoped3A : memref<!tpu.dma_semaphore, #tpu.memory_space<semaphore_mem>>)
      tpu.wait_dma2 semaphore(%run_scoped3A : memref<!tpu.dma_semaphore, #tpu.memory_space<semaphore_mem>>) src(%arg7 : memref<13x32xf32, #tpu.memory_space<hbm>>) dst(%arg14 : memref<13x32xf32, #tpu.memory_space<vmem>>)
      tpu.yield
    }) : () -> ()
    "tpu.region"() ({
      %run_scoped3A = tpu.sem_alloc : memref<!tpu.dma_semaphore, #tpu.memory_space<semaphore_mem>>
      tpu.enqueue_dma source(%arg8 : memref<13x32xf32, #tpu.memory_space<hbm>>) target(%arg15 : memref<13x32xf32, #tpu.memory_space<vmem>>) target_semaphore(%run_scoped3A : memref<!tpu.dma_semaphore, #tpu.memory_space<semaphore_mem>>)
      tpu.wait_dma2 semaphore(%run_scoped3A : memref<!tpu.dma_semaphore, #tpu.memory_space<semaphore_mem>>) src(%arg8 : memref<13x32xf32, #tpu.memory_space<hbm>>) dst(%arg15 : memref<13x32xf32, #tpu.memory_space<vmem>>)
      tpu.yield
    }) : () -> ()
    %iota3A = tpu.iota {dimensions = array<i32: 0>} : vector<16xi32>
    %scan3A = arith.constant 0 : i32
    %scan3A_3 = arith.constant 0 : i32
    %scan3A_4 = arith.constant 26 : i32
    %scan3A_5 = arith.addi %scan3A_3, %scan3A_4 : i32
    %scan3A_6 = arith.constant 1 : i32
    scf.for %scan3A_20 = %scan3A_3 to %scan3A_5 step %scan3A_6  : i32 {
      %broadcast_in_dim3A = vector.broadcast %scan3A_20 : i32 to vector<16xi32>
      %add3A_21 = arith.constant 0 : i32
      %add3A_22 = vector.broadcast %add3A_21 : i32 to vector<16xi32>
      %add3A_23 = arith.addi %add3A_22, %iota3A : vector<16xi32>
      %gather3A = tpu.vector_load_idx %arg11[%add3A_23, %broadcast_in_dim3A] : memref<128x26xi32, #tpu.memory_space<vmem>>[vector<16xi32>, vector<16xi32>], vector<16xi32>,
      %swap3A = arith.constant 0 : index
      %swap3A_24 = tpu.vector_load %arg16[%swap3A] {strides = array<i32>} : memref<128xi32, #tpu.memory_space<vmem>>, vector<16xi32>,
      tpu.vector_store %arg16[%swap3A], %gather3A {strides = array<i32>} : memref<128xi32, #tpu.memory_space<vmem>>, vector<16xi32>,
      %add3A_25 = arith.constant 16 : i32
      %add3A_26 = vector.broadcast %add3A_25 : i32 to vector<16xi32>
      %add3A_27 = arith.addi %add3A_26, %iota3A : vector<16xi32>
      %gather3A_28 = tpu.vector_load_idx %arg11[%add3A_27, %broadcast_in_dim3A] : memref<128x26xi32, #tpu.memory_space<vmem>>[vector<16xi32>, vector<16xi32>], vector<16xi32>,
      %swap3A_29 = arith.constant 16 : index
      %swap3A_30 = tpu.vector_load %arg16[%swap3A_29] {strides = array<i32>} : memref<128xi32, #tpu.memory_space<vmem>>, vector<16xi32>,
      tpu.vector_store %arg16[%swap3A_29], %gather3A_28 {strides = array<i32>} : memref<128xi32, #tpu.memory_space<vmem>>, vector<16xi32>,
      %add3A_31 = arith.constant 32 : i32
      %add3A_32 = vector.broadcast %add3A_31 : i32 to vector<16xi32>
      %add3A_33 = arith.addi %add3A_32, %iota3A : vector<16xi32>
      %gather3A_34 = tpu.vector_load_idx %arg11[%add3A_33, %broadcast_in_dim3A] : memref<128x26xi32, #tpu.memory_space<vmem>>[vector<16xi32>, vector<16xi32>], vector<16xi32>,
      %swap3A_35 = arith.constant 32 : index
      %swap3A_36 = tpu.vector_load %arg16[%swap3A_35] {strides = array<i32>} : memref<128xi32, #tpu.memory_space<vmem>>, vector<16xi32>,
      tpu.vector_store %arg16[%swap3A_35], %gather3A_34 {strides = array<i32>} : memref<128xi32, #tpu.memory_space<vmem>>, vector<16xi32>,
      %add3A_37 = arith.constant 48 : i32
      %add3A_38 = vector.broadcast %add3A_37 : i32 to vector<16xi32>
      %add3A_39 = arith.addi %add3A_38, %iota3A : vector<16xi32>
      %gather3A_40 = tpu.vector_load_idx %arg11[%add3A_39, %broadcast_in_dim3A] : memref<128x26xi32, #tpu.memory_space<vmem>>[vector<16xi32>, vector<16xi32>], vector<16xi32>,
      %swap3A_41 = arith.constant 48 : index
      %swap3A_42 = tpu.vector_load %arg16[%swap3A_41] {strides = array<i32>} : memref<128xi32, #tpu.memory_space<vmem>>, vector<16xi32>,
      tpu.vector_store %arg16[%swap3A_41], %gather3A_40 {strides = array<i32>} : memref<128xi32, #tpu.memory_space<vmem>>, vector<16xi32>,
      %add3A_43 = arith.constant 64 : i32
      %add3A_44 = vector.broadcast %add3A_43 : i32 to vector<16xi32>
      %add3A_45 = arith.addi %add3A_44, %iota3A : vector<16xi32>
      %gather3A_46 = tpu.vector_load_idx %arg11[%add3A_45, %broadcast_in_dim3A] : memref<128x26xi32, #tpu.memory_space<vmem>>[vector<16xi32>, vector<16xi32>], vector<16xi32>,
      %swap3A_47 = arith.constant 64 : index
      %swap3A_48 = tpu.vector_load %arg16[%swap3A_47] {strides = array<i32>} : memref<128xi32, #tpu.memory_space<vmem>>, vector<16xi32>,
      tpu.vector_store %arg16[%swap3A_47], %gather3A_46 {strides = array<i32>} : memref<128xi32, #tpu.memory_space<vmem>>, vector<16xi32>,
      %add3A_49 = arith.constant 80 : i32
      %add3A_50 = vector.broadcast %add3A_49 : i32 to vector<16xi32>
      %add3A_51 = arith.addi %add3A_50, %iota3A : vector<16xi32>
      %gather3A_52 = tpu.vector_load_idx %arg11[%add3A_51, %broadcast_in_dim3A] : memref<128x26xi32, #tpu.memory_space<vmem>>[vector<16xi32>, vector<16xi32>], vector<16xi32>,
      %swap3A_53 = arith.constant 80 : index
      %swap3A_54 = tpu.vector_load %arg16[%swap3A_53] {strides = array<i32>} : memref<128xi32, #tpu.memory_space<vmem>>, vector<16xi32>,
      tpu.vector_store %arg16[%swap3A_53], %gather3A_52 {strides = array<i32>} : memref<128xi32, #tpu.memory_space<vmem>>, vector<16xi32>,
      %add3A_55 = arith.constant 96 : i32
      %add3A_56 = vector.broadcast %add3A_55 : i32 to vector<16xi32>
      %add3A_57 = arith.addi %add3A_56, %iota3A : vector<16xi32>
      %gather3A_58 = tpu.vector_load_idx %arg11[%add3A_57, %broadcast_in_dim3A] : memref<128x26xi32, #tpu.memory_space<vmem>>[vector<16xi32>, vector<16xi32>], vector<16xi32>,
      %swap3A_59 = arith.constant 96 : index
      %swap3A_60 = tpu.vector_load %arg16[%swap3A_59] {strides = array<i32>} : memref<128xi32, #tpu.memory_space<vmem>>, vector<16xi32>,
      tpu.vector_store %arg16[%swap3A_59], %gather3A_58 {strides = array<i32>} : memref<128xi32, #tpu.memory_space<vmem>>, vector<16xi32>,
      %add3A_61 = arith.constant 112 : i32
      %add3A_62 = vector.broadcast %add3A_61 : i32 to vector<16xi32>
      %add3A_63 = arith.addi %add3A_62, %iota3A : vector<16xi32>
      %gather3A_64 = tpu.vector_load_idx %arg11[%add3A_63, %broadcast_in_dim3A] : memref<128x26xi32, #tpu.memory_space<vmem>>[vector<16xi32>, vector<16xi32>], vector<16xi32>,
      %swap3A_65 = arith.constant 112 : index
      %swap3A_66 = tpu.vector_load %arg16[%swap3A_65] {strides = array<i32>} : memref<128xi32, #tpu.memory_space<vmem>>, vector<16xi32>,
      tpu.vector_store %arg16[%swap3A_65], %gather3A_64 {strides = array<i32>} : memref<128xi32, #tpu.memory_space<vmem>>, vector<16xi32>,
      %dma_start3A = arith.constant 0 : i32
      %dma_start3A_67 = arith.constant 0 : i32
      %dma_start3A_68 = tpu.memref_slice %arg2[%scan3A_20, %dma_start3A, %dma_start3A_67] : memref<26x100000x32xf32, #tpu.memory_space<hbm>> -> memref<1x100000x32xf32, #tpu.memory_space<hbm>>
      %dma_start3A_69 = tpu.memref_squeeze %dma_start3A_68 : memref<1x100000x32xf32, #tpu.memory_space<hbm>> -> memref<100000x32xf32, #tpu.memory_space<hbm>>
      %dma_start3A_70 = arith.constant 0 : i32
      %dma_start3A_71 = arith.constant 0 : i32
      %dma_start3A_72 = tpu.memref_slice %dma_start3A_69[%dma_start3A_70, %dma_start3A_71] : memref<100000x32xf32, #tpu.memory_space<hbm>> -> memref<100000x32xf32, #tpu.memory_space<hbm>>
      tpu.enqueue_indirect_dma source(%dma_start3A_72 : memref<100000x32xf32, #tpu.memory_space<hbm>>) target(%arg17 : memref<128x32xf32, #tpu.memory_space<vmem>>) offsets(%arg16 : memref<128xi32, #tpu.memory_space<vmem>>) semaphore(%arg18 : memref<!tpu.dma_semaphore, #tpu.memory_space<semaphore_mem>>)
      %dma_wait3A = arith.constant 0 : i32
      %dma_wait3A_73 = arith.constant 0 : i32
      %dma_wait3A_74 = tpu.memref_slice %arg2[%scan3A_20, %dma_wait3A, %dma_wait3A_73] : memref<26x100000x32xf32, #tpu.memory_space<hbm>> -> memref<1x100000x32xf32, #tpu.memory_space<hbm>>
      %dma_wait3A_75 = tpu.memref_squeeze %dma_wait3A_74 : memref<1x100000x32xf32, #tpu.memory_space<hbm>> -> memref<100000x32xf32, #tpu.memory_space<hbm>>
      %dma_wait3A_76 = arith.constant 0 : i32
      %dma_wait3A_77 = arith.constant 0 : i32
      %dma_wait3A_78 = tpu.memref_slice %dma_wait3A_75[%dma_wait3A_76, %dma_wait3A_77] : memref<100000x32xf32, #tpu.memory_space<hbm>> -> memref<100000x32xf32, #tpu.memory_space<hbm>>
      tpu.wait_indirect_dma semaphore(%arg18 : memref<!tpu.dma_semaphore, #tpu.memory_space<semaphore_mem>>) src(%dma_wait3A_78 : memref<100000x32xf32, #tpu.memory_space<hbm>>) dst(%arg17 : memref<128x32xf32, #tpu.memory_space<vmem>>)
      "tpu.region"() ({
        %run_scoped3A = tpu.sem_alloc : memref<!tpu.dma_semaphore, #tpu.memory_space<semaphore_mem>>
        %dma_start3A_79 = arith.constant 0 : i32
        %dma_start3A_80 = tpu.memref_slice %arg9[%mul3A_2, %scan3A_20, %dma_start3A_79] : memref<4096x26x32xf32, #tpu.memory_space<hbm>> -> memref<128x1x32xf32, #tpu.memory_space<hbm>>
        %dma_start3A_81 = tpu.memref_squeeze %dma_start3A_80 : memref<128x1x32xf32, #tpu.memory_space<hbm>> -> memref<128x32xf32, #tpu.memory_space<hbm>>
        %dma_start3A_82 = arith.constant 0 : i32
        %dma_start3A_83 = tpu.memref_slice %arg9[%mul3A_2, %scan3A_20, %dma_start3A_82] : memref<4096x26x32xf32, #tpu.memory_space<hbm>> -> memref<128x1x32xf32, #tpu.memory_space<hbm>>
        %dma_start3A_84 = tpu.memref_squeeze %dma_start3A_83 : memref<128x1x32xf32, #tpu.memory_space<hbm>> -> memref<128x32xf32, #tpu.memory_space<hbm>>
        tpu.enqueue_dma source(%arg17 : memref<128x32xf32, #tpu.memory_space<vmem>>) target(%dma_start3A_84 : memref<128x32xf32, #tpu.memory_space<hbm>>) target_semaphore(%run_scoped3A : memref<!tpu.dma_semaphore, #tpu.memory_space<semaphore_mem>>)
        %dma_wait3A_85 = arith.constant 0 : i32
        %dma_wait3A_86 = tpu.memref_slice %arg9[%mul3A_2, %scan3A_20, %dma_wait3A_85] : memref<4096x26x32xf32, #tpu.memory_space<hbm>> -> memref<128x1x32xf32, #tpu.memory_space<hbm>>
        %dma_wait3A_87 = tpu.memref_squeeze %dma_wait3A_86 : memref<128x1x32xf32, #tpu.memory_space<hbm>> -> memref<128x32xf32, #tpu.memory_space<hbm>>
        %dma_wait3A_88 = arith.constant 0 : i32
        %dma_wait3A_89 = tpu.memref_slice %arg9[%mul3A_2, %scan3A_20, %dma_wait3A_88] : memref<4096x26x32xf32, #tpu.memory_space<hbm>> -> memref<128x1x32xf32, #tpu.memory_space<hbm>>
        %dma_wait3A_90 = tpu.memref_squeeze %dma_wait3A_89 : memref<128x1x32xf32, #tpu.memory_space<hbm>> -> memref<128x32xf32, #tpu.memory_space<hbm>>
        tpu.wait_dma2 semaphore(%run_scoped3A : memref<!tpu.dma_semaphore, #tpu.memory_space<semaphore_mem>>) src(%arg17 : memref<128x32xf32, #tpu.memory_space<vmem>>) dst(%dma_wait3A_90 : memref<128x32xf32, #tpu.memory_space<hbm>>)
        tpu.yield
      }) : () -> ()
    }
    %scan3A_7 = arith.constant 26 : i32
    %scan3A_8 = arith.constant 0 : i32
    %scan3A_9 = arith.constant 0 : i32
    %scan3A_10 = arith.constant 13 : i32
    %scan3A_11 = arith.addi %scan3A_9, %scan3A_10 : i32
    %scan3A_12 = arith.constant 1 : i32
    scf.for %scan3A_20 = %scan3A_9 to %scan3A_11 step %scan3A_12  : i32 {
      %broadcast_in_dim3A = vector.broadcast %scan3A_20 : i32 to vector<16xi32>
      %add3A_21 = arith.constant 0 : i32
      %add3A_22 = vector.broadcast %add3A_21 : i32 to vector<16xi32>
      %add3A_23 = arith.addi %add3A_22, %iota3A : vector<16xi32>
      %gather3A = tpu.vector_load_idx %arg12[%add3A_23, %broadcast_in_dim3A] : memref<128x13xi32, #tpu.memory_space<vmem>>[vector<16xi32>, vector<16xi32>], vector<16xi32>,
      %swap3A = arith.constant 0 : index
      %swap3A_24 = tpu.vector_load %arg16[%swap3A] {strides = array<i32>} : memref<128xi32, #tpu.memory_space<vmem>>, vector<16xi32>,
      tpu.vector_store %arg16[%swap3A], %gather3A {strides = array<i32>} : memref<128xi32, #tpu.memory_space<vmem>>, vector<16xi32>,
      %add3A_25 = arith.constant 16 : i32
      %add3A_26 = vector.broadcast %add3A_25 : i32 to vector<16xi32>
      %add3A_27 = arith.addi %add3A_26, %iota3A : vector<16xi32>
      %gather3A_28 = tpu.vector_load_idx %arg12[%add3A_27, %broadcast_in_dim3A] : memref<128x13xi32, #tpu.memory_space<vmem>>[vector<16xi32>, vector<16xi32>], vector<16xi32>,
      %swap3A_29 = arith.constant 16 : index
      %swap3A_30 = tpu.vector_load %arg16[%swap3A_29] {strides = array<i32>} : memref<128xi32, #tpu.memory_space<vmem>>, vector<16xi32>,
      tpu.vector_store %arg16[%swap3A_29], %gather3A_28 {strides = array<i32>} : memref<128xi32, #tpu.memory_space<vmem>>, vector<16xi32>,
      %add3A_31 = arith.constant 32 : i32
      %add3A_32 = vector.broadcast %add3A_31 : i32 to vector<16xi32>
      %add3A_33 = arith.addi %add3A_32, %iota3A : vector<16xi32>
      %gather3A_34 = tpu.vector_load_idx %arg12[%add3A_33, %broadcast_in_dim3A] : memref<128x13xi32, #tpu.memory_space<vmem>>[vector<16xi32>, vector<16xi32>], vector<16xi32>,
      %swap3A_35 = arith.constant 32 : index
      %swap3A_36 = tpu.vector_load %arg16[%swap3A_35] {strides = array<i32>} : memref<128xi32, #tpu.memory_space<vmem>>, vector<16xi32>,
      tpu.vector_store %arg16[%swap3A_35], %gather3A_34 {strides = array<i32>} : memref<128xi32, #tpu.memory_space<vmem>>, vector<16xi32>,
      %add3A_37 = arith.constant 48 : i32
      %add3A_38 = vector.broadcast %add3A_37 : i32 to vector<16xi32>
      %add3A_39 = arith.addi %add3A_38, %iota3A : vector<16xi32>
      %gather3A_40 = tpu.vector_load_idx %arg12[%add3A_39, %broadcast_in_dim3A] : memref<128x13xi32, #tpu.memory_space<vmem>>[vector<16xi32>, vector<16xi32>], vector<16xi32>,
      %swap3A_41 = arith.constant 48 : index
      %swap3A_42 = tpu.vector_load %arg16[%swap3A_41] {strides = array<i32>} : memref<128xi32, #tpu.memory_space<vmem>>, vector<16xi32>,
      tpu.vector_store %arg16[%swap3A_41], %gather3A_40 {strides = array<i32>} : memref<128xi32, #tpu.memory_space<vmem>>, vector<16xi32>,
      %add3A_43 = arith.constant 64 : i32
      %add3A_44 = vector.broadcast %add3A_43 : i32 to vector<16xi32>
      %add3A_45 = arith.addi %add3A_44, %iota3A : vector<16xi32>
      %gather3A_46 = tpu.vector_load_idx %arg12[%add3A_45, %broadcast_in_dim3A] : memref<128x13xi32, #tpu.memory_space<vmem>>[vector<16xi32>, vector<16xi32>], vector<16xi32>,
      %swap3A_47 = arith.constant 64 : index
      %swap3A_48 = tpu.vector_load %arg16[%swap3A_47] {strides = array<i32>} : memref<128xi32, #tpu.memory_space<vmem>>, vector<16xi32>,
      tpu.vector_store %arg16[%swap3A_47], %gather3A_46 {strides = array<i32>} : memref<128xi32, #tpu.memory_space<vmem>>, vector<16xi32>,
      %add3A_49 = arith.constant 80 : i32
      %add3A_50 = vector.broadcast %add3A_49 : i32 to vector<16xi32>
      %add3A_51 = arith.addi %add3A_50, %iota3A : vector<16xi32>
      %gather3A_52 = tpu.vector_load_idx %arg12[%add3A_51, %broadcast_in_dim3A] : memref<128x13xi32, #tpu.memory_space<vmem>>[vector<16xi32>, vector<16xi32>], vector<16xi32>,
      %swap3A_53 = arith.constant 80 : index
      %swap3A_54 = tpu.vector_load %arg16[%swap3A_53] {strides = array<i32>} : memref<128xi32, #tpu.memory_space<vmem>>, vector<16xi32>,
      tpu.vector_store %arg16[%swap3A_53], %gather3A_52 {strides = array<i32>} : memref<128xi32, #tpu.memory_space<vmem>>, vector<16xi32>,
      %add3A_55 = arith.constant 96 : i32
      %add3A_56 = vector.broadcast %add3A_55 : i32 to vector<16xi32>
      %add3A_57 = arith.addi %add3A_56, %iota3A : vector<16xi32>
      %gather3A_58 = tpu.vector_load_idx %arg12[%add3A_57, %broadcast_in_dim3A] : memref<128x13xi32, #tpu.memory_space<vmem>>[vector<16xi32>, vector<16xi32>], vector<16xi32>,
      %swap3A_59 = arith.constant 96 : index
      %swap3A_60 = tpu.vector_load %arg16[%swap3A_59] {strides = array<i32>} : memref<128xi32, #tpu.memory_space<vmem>>, vector<16xi32>,
      tpu.vector_store %arg16[%swap3A_59], %gather3A_58 {strides = array<i32>} : memref<128xi32, #tpu.memory_space<vmem>>, vector<16xi32>,
      %add3A_61 = arith.constant 112 : i32
      %add3A_62 = vector.broadcast %add3A_61 : i32 to vector<16xi32>
      %add3A_63 = arith.addi %add3A_62, %iota3A : vector<16xi32>
      %gather3A_64 = tpu.vector_load_idx %arg12[%add3A_63, %broadcast_in_dim3A] : memref<128x13xi32, #tpu.memory_space<vmem>>[vector<16xi32>, vector<16xi32>], vector<16xi32>,
      %swap3A_65 = arith.constant 112 : index
      %swap3A_66 = tpu.vector_load %arg16[%swap3A_65] {strides = array<i32>} : memref<128xi32, #tpu.memory_space<vmem>>, vector<16xi32>,
      tpu.vector_store %arg16[%swap3A_65], %gather3A_64 {strides = array<i32>} : memref<128xi32, #tpu.memory_space<vmem>>, vector<16xi32>,
      %dma_start3A = arith.constant 0 : i32
      %dma_start3A_67 = arith.constant 0 : i32
      %dma_start3A_68 = tpu.memref_slice %arg4[%scan3A_20, %dma_start3A, %dma_start3A_67] : memref<13x100000x32xf32, #tpu.memory_space<hbm>> -> memref<1x100000x32xf32, #tpu.memory_space<hbm>>
      %dma_start3A_69 = tpu.memref_squeeze %dma_start3A_68 : memref<1x100000x32xf32, #tpu.memory_space<hbm>> -> memref<100000x32xf32, #tpu.memory_space<hbm>>
      %dma_start3A_70 = arith.constant 0 : i32
      %dma_start3A_71 = arith.constant 0 : i32
      %dma_start3A_72 = tpu.memref_slice %dma_start3A_69[%dma_start3A_70, %dma_start3A_71] : memref<100000x32xf32, #tpu.memory_space<hbm>> -> memref<100000x32xf32, #tpu.memory_space<hbm>>
      tpu.enqueue_indirect_dma source(%dma_start3A_72 : memref<100000x32xf32, #tpu.memory_space<hbm>>) target(%arg17 : memref<128x32xf32, #tpu.memory_space<vmem>>) offsets(%arg16 : memref<128xi32, #tpu.memory_space<vmem>>) semaphore(%arg18 : memref<!tpu.dma_semaphore, #tpu.memory_space<semaphore_mem>>)
      %dma_wait3A = arith.constant 0 : i32
      %dma_wait3A_73 = arith.constant 0 : i32
      %dma_wait3A_74 = tpu.memref_slice %arg4[%scan3A_20, %dma_wait3A, %dma_wait3A_73] : memref<13x100000x32xf32, #tpu.memory_space<hbm>> -> memref<1x100000x32xf32, #tpu.memory_space<hbm>>
      %dma_wait3A_75 = tpu.memref_squeeze %dma_wait3A_74 : memref<1x100000x32xf32, #tpu.memory_space<hbm>> -> memref<100000x32xf32, #tpu.memory_space<hbm>>
      %dma_wait3A_76 = arith.constant 0 : i32
      %dma_wait3A_77 = arith.constant 0 : i32
      %dma_wait3A_78 = tpu.memref_slice %dma_wait3A_75[%dma_wait3A_76, %dma_wait3A_77] : memref<100000x32xf32, #tpu.memory_space<hbm>> -> memref<100000x32xf32, #tpu.memory_space<hbm>>
      tpu.wait_indirect_dma semaphore(%arg18 : memref<!tpu.dma_semaphore, #tpu.memory_space<semaphore_mem>>) src(%dma_wait3A_78 : memref<100000x32xf32, #tpu.memory_space<hbm>>) dst(%arg17 : memref<128x32xf32, #tpu.memory_space<vmem>>)
      "tpu.region"() ({
        %run_scoped3A = tpu.sem_alloc : memref<!tpu.dma_semaphore, #tpu.memory_space<semaphore_mem>>
        %dma_start3A_79 = arith.constant 0 : i32
        %dma_start3A_80 = tpu.memref_slice %arg10[%mul3A_2, %scan3A_20, %dma_start3A_79] : memref<4096x26x32xf32, #tpu.memory_space<hbm>> -> memref<128x1x32xf32, #tpu.memory_space<hbm>>
        %dma_start3A_81 = tpu.memref_squeeze %dma_start3A_80 : memref<128x1x32xf32, #tpu.memory_space<hbm>> -> memref<128x32xf32, #tpu.memory_space<hbm>>
        %dma_start3A_82 = arith.constant 0 : i32
        %dma_start3A_83 = tpu.memref_slice %arg10[%mul3A_2, %scan3A_20, %dma_start3A_82] : memref<4096x26x32xf32, #tpu.memory_space<hbm>> -> memref<128x1x32xf32, #tpu.memory_space<hbm>>
        %dma_start3A_84 = tpu.memref_squeeze %dma_start3A_83 : memref<128x1x32xf32, #tpu.memory_space<hbm>> -> memref<128x32xf32, #tpu.memory_space<hbm>>
        tpu.enqueue_dma source(%arg17 : memref<128x32xf32, #tpu.memory_space<vmem>>) target(%dma_start3A_84 : memref<128x32xf32, #tpu.memory_space<hbm>>) target_semaphore(%run_scoped3A : memref<!tpu.dma_semaphore, #tpu.memory_space<semaphore_mem>>)
        %dma_wait3A_85 = arith.constant 0 : i32
        %dma_wait3A_86 = tpu.memref_slice %arg10[%mul3A_2, %scan3A_20, %dma_wait3A_85] : memref<4096x26x32xf32, #tpu.memory_space<hbm>> -> memref<128x1x32xf32, #tpu.memory_space<hbm>>
        %dma_wait3A_87 = tpu.memref_squeeze %dma_wait3A_86 : memref<128x1x32xf32, #tpu.memory_space<hbm>> -> memref<128x32xf32, #tpu.memory_space<hbm>>
        %dma_wait3A_88 = arith.constant 0 : i32
        %dma_wait3A_89 = tpu.memref_slice %arg10[%mul3A_2, %scan3A_20, %dma_wait3A_88] : memref<4096x26x32xf32, #tpu.memory_space<hbm>> -> memref<128x1x32xf32, #tpu.memory_space<hbm>>
        %dma_wait3A_90 = tpu.memref_squeeze %dma_wait3A_89 : memref<128x1x32xf32, #tpu.memory_space<hbm>> -> memref<128x32xf32, #tpu.memory_space<hbm>>
        tpu.wait_dma2 semaphore(%run_scoped3A : memref<!tpu.dma_semaphore, #tpu.memory_space<semaphore_mem>>) src(%arg17 : memref<128x32xf32, #tpu.memory_space<vmem>>) dst(%dma_wait3A_90 : memref<128x32xf32, #tpu.memory_space<hbm>>)
        tpu.yield
      }) : () -> ()
    }
    %scan3A_13 = arith.constant 13 : i32
    %scan3A_14 = arith.constant 0 : i32
    %scan3A_15 = arith.constant 0 : i32
    %scan3A_16 = arith.constant 13 : i32
    %scan3A_17 = arith.addi %scan3A_15, %scan3A_16 : i32
    %scan3A_18 = arith.constant 1 : i32
    scf.for %scan3A_20 = %scan3A_15 to %scan3A_17 step %scan3A_18  : i32 {
      %broadcast_in_dim3A = vector.broadcast %scan3A_20 : i32 to vector<16xi32>
      %get3A = arith.index_cast %scan3A_20 : i32 to index
      %get3A_21 = arith.constant 0 : index
      %get3A_22 = tpu.vector_load %arg14[%get3A, %get3A_21] {strides = array<i32>} : memref<13x32xf32, #tpu.memory_space<vmem>>, vector<16xf32>,
      %get3A_23 = arith.index_cast %scan3A_20 : i32 to index
      %get3A_24 = arith.constant 16 : index
      %get3A_25 = tpu.vector_load %arg14[%get3A_23, %get3A_24] {strides = array<i32>} : memref<13x32xf32, #tpu.memory_space<vmem>>, vector<16xf32>,
      %get3A_26 = arith.index_cast %scan3A_20 : i32 to index
      %get3A_27 = arith.constant 0 : index
      %get3A_28 = tpu.vector_load %arg15[%get3A_26, %get3A_27] {strides = array<i32>} : memref<13x32xf32, #tpu.memory_space<vmem>>, vector<16xf32>,
      %get3A_29 = arith.index_cast %scan3A_20 : i32 to index
      %get3A_30 = arith.constant 16 : index
      %get3A_31 = tpu.vector_load %arg15[%get3A_29, %get3A_30] {strides = array<i32>} : memref<13x32xf32, #tpu.memory_space<vmem>>, vector<16xf32>,
      %scan3A_32 = arith.constant 0 : i32
      %scan3A_33 = arith.constant 0 : i32
      %scan3A_34 = arith.constant 8 : i32
      %scan3A_35 = arith.addi %scan3A_33, %scan3A_34 : i32
      %scan3A_36 = arith.constant 1 : i32
      scf.for %scan3A_40 = %scan3A_33 to %scan3A_35 step %scan3A_36  : i32 {
        %mul3A_41 = arith.constant 16 : i32
        %mul3A_42 = arith.muli %scan3A_40, %mul3A_41 : i32
        %add3A_43 = vector.broadcast %mul3A_42 : i32 to vector<16xi32>
        %add3A_44 = arith.addi %add3A_43, %iota3A : vector<16xi32>
        %gather3A = tpu.vector_load_idx %arg13[%add3A_44, %broadcast_in_dim3A] : memref<128x13xf32, #tpu.memory_space<vmem>>[vector<16xi32>, vector<16xi32>], vector<16xf32>,
        %slice3A = vector.extract_strided_slice %gather3A {offsets = [0], sizes = [1], strides = [1]} : vector<16xf32> to vector<1xf32>
        %squeeze3A = vector.extract %slice3A[0] : f32 from vector<1xf32>
        %mul3A_45 = vector.broadcast %squeeze3A : f32 to vector<16xf32>
        %mul3A_46 = arith.mulf %mul3A_45, %get3A_22 : vector<16xf32>
        %add3A_47 = arith.addf %mul3A_46, %get3A_28 : vector<16xf32>
        %mul3A_48 = arith.constant 16 : i32
        %mul3A_49 = arith.muli %scan3A_40, %mul3A_48 : i32
        %add3A_50 = arith.constant 0 : i32
        %add3A_51 = arith.addi %mul3A_49, %add3A_50 : i32
        %swap3A = arith.index_cast %add3A_51 : i32 to index
        %swap3A_52 = arith.constant 0 : index
        %swap3A_53 = tpu.vector_load %arg17[%swap3A, %swap3A_52] {strides = array<i32>} : memref<128x32xf32, #tpu.memory_space<vmem>>, vector<16xf32>,
        tpu.vector_store %arg17[%swap3A, %swap3A_52], %add3A_47 {strides = array<i32>} : memref<128x32xf32, #tpu.memory_space<vmem>>, vector<16xf32>,
        %mul3A_54 = vector.broadcast %squeeze3A : f32 to vector<16xf32>
        %mul3A_55 = arith.mulf %mul3A_54, %get3A_25 : vector<16xf32>
        %add3A_56 = arith.addf %mul3A_55, %get3A_31 : vector<16xf32>
        %mul3A_57 = arith.constant 16 : i32
        %mul3A_58 = arith.muli %scan3A_40, %mul3A_57 : i32
        %add3A_59 = arith.constant 0 : i32
        %add3A_60 = arith.addi %mul3A_58, %add3A_59 : i32
        %swap3A_61 = arith.index_cast %add3A_60 : i32 to index
        %swap3A_62 = arith.constant 16 : index
        %swap3A_63 = tpu.vector_load %arg17[%swap3A_61, %swap3A_62] {strides = array<i32>} : memref<128x32xf32, #tpu.memory_space<vmem>>, vector<16xf32>,
        tpu.vector_store %arg17[%swap3A_61, %swap3A_62], %add3A_56 {strides = array<i32>} : memref<128x32xf32, #tpu.memory_space<vmem>>, vector<16xf32>,
        %slice3A_64 = vector.extract_strided_slice %gather3A {offsets = [1], sizes = [1], strides = [1]} : vector<16xf32> to vector<1xf32>
        %squeeze3A_65 = vector.extract %slice3A_64[0] : f32 from vector<1xf32>
        %mul3A_66 = vector.broadcast %squeeze3A_65 : f32 to vector<16xf32>
        %mul3A_67 = arith.mulf %mul3A_66, %get3A_22 : vector<16xf32>
        %add3A_68 = arith.addf %mul3A_67, %get3A_28 : vector<16xf32>
        %mul3A_69 = arith.constant 16 : i32
        %mul3A_70 = arith.muli %scan3A_40, %mul3A_69 : i32
        %add3A_71 = arith.constant 1 : i32
        %add3A_72 = arith.addi %mul3A_70, %add3A_71 : i32
        %swap3A_73 = arith.index_cast %add3A_72 : i32 to index
        %swap3A_74 = arith.constant 0 : index
        %swap3A_75 = tpu.vector_load %arg17[%swap3A_73, %swap3A_74] {strides = array<i32>} : memref<128x32xf32, #tpu.memory_space<vmem>>, vector<16xf32>,
        tpu.vector_store %arg17[%swap3A_73, %swap3A_74], %add3A_68 {strides = array<i32>} : memref<128x32xf32, #tpu.memory_space<vmem>>, vector<16xf32>,
        %mul3A_76 = vector.broadcast %squeeze3A_65 : f32 to vector<16xf32>
        %mul3A_77 = arith.mulf %mul3A_76, %get3A_25 : vector<16xf32>
        %add3A_78 = arith.addf %mul3A_77, %get3A_31 : vector<16xf32>
        %mul3A_79 = arith.constant 16 : i32
        %mul3A_80 = arith.muli %scan3A_40, %mul3A_79 : i32
        %add3A_81 = arith.constant 1 : i32
        %add3A_82 = arith.addi %mul3A_80, %add3A_81 : i32
        %swap3A_83 = arith.index_cast %add3A_82 : i32 to index
        %swap3A_84 = arith.constant 16 : index
        %swap3A_85 = tpu.vector_load %arg17[%swap3A_83, %swap3A_84] {strides = array<i32>} : memref<128x32xf32, #tpu.memory_space<vmem>>, vector<16xf32>,
        tpu.vector_store %arg17[%swap3A_83, %swap3A_84], %add3A_78 {strides = array<i32>} : memref<128x32xf32, #tpu.memory_space<vmem>>, vector<16xf32>,
        %slice3A_86 = vector.extract_strided_slice %gather3A {offsets = [2], sizes = [1], strides = [1]} : vector<16xf32> to vector<1xf32>
        %squeeze3A_87 = vector.extract %slice3A_86[0] : f32 from vector<1xf32>
        %mul3A_88 = vector.broadcast %squeeze3A_87 : f32 to vector<16xf32>
        %mul3A_89 = arith.mulf %mul3A_88, %get3A_22 : vector<16xf32>
        %add3A_90 = arith.addf %mul3A_89, %get3A_28 : vector<16xf32>
        %mul3A_91 = arith.constant 16 : i32
        %mul3A_92 = arith.muli %scan3A_40, %mul3A_91 : i32
        %add3A_93 = arith.constant 2 : i32
        %add3A_94 = arith.addi %mul3A_92, %add3A_93 : i32
        %swap3A_95 = arith.index_cast %add3A_94 : i32 to index
        %swap3A_96 = arith.constant 0 : index
        %swap3A_97 = tpu.vector_load %arg17[%swap3A_95, %swap3A_96] {strides = array<i32>} : memref<128x32xf32, #tpu.memory_space<vmem>>, vector<16xf32>,
        tpu.vector_store %arg17[%swap3A_95, %swap3A_96], %add3A_90 {strides = array<i32>} : memref<128x32xf32, #tpu.memory_space<vmem>>, vector<16xf32>,
        %mul3A_98 = vector.broadcast %squeeze3A_87 : f32 to vector<16xf32>
        %mul3A_99 = arith.mulf %mul3A_98, %get3A_25 : vector<16xf32>
        %add3A_100 = arith.addf %mul3A_99, %get3A_31 : vector<16xf32>
        %mul3A_101 = arith.constant 16 : i32
        %mul3A_102 = arith.muli %scan3A_40, %mul3A_101 : i32
        %add3A_103 = arith.constant 2 : i32
        %add3A_104 = arith.addi %mul3A_102, %add3A_103 : i32
        %swap3A_105 = arith.index_cast %add3A_104 : i32 to index
        %swap3A_106 = arith.constant 16 : index
        %swap3A_107 = tpu.vector_load %arg17[%swap3A_105, %swap3A_106] {strides = array<i32>} : memref<128x32xf32, #tpu.memory_space<vmem>>, vector<16xf32>,
        tpu.vector_store %arg17[%swap3A_105, %swap3A_106], %add3A_100 {strides = array<i32>} : memref<128x32xf32, #tpu.memory_space<vmem>>, vector<16xf32>,
        %slice3A_108 = vector.extract_strided_slice %gather3A {offsets = [3], sizes = [1], strides = [1]} : vector<16xf32> to vector<1xf32>
        %squeeze3A_109 = vector.extract %slice3A_108[0] : f32 from vector<1xf32>
        %mul3A_110 = vector.broadcast %squeeze3A_109 : f32 to vector<16xf32>
        %mul3A_111 = arith.mulf %mul3A_110, %get3A_22 : vector<16xf32>
        %add3A_112 = arith.addf %mul3A_111, %get3A_28 : vector<16xf32>
        %mul3A_113 = arith.constant 16 : i32
        %mul3A_114 = arith.muli %scan3A_40, %mul3A_113 : i32
        %add3A_115 = arith.constant 3 : i32
        %add3A_116 = arith.addi %mul3A_114, %add3A_115 : i32
        %swap3A_117 = arith.index_cast %add3A_116 : i32 to index
        %swap3A_118 = arith.constant 0 : index
        %swap3A_119 = tpu.vector_load %arg17[%swap3A_117, %swap3A_118] {strides = array<i32>} : memref<128x32xf32, #tpu.memory_space<vmem>>, vector<16xf32>,
        tpu.vector_store %arg17[%swap3A_117, %swap3A_118], %add3A_112 {strides = array<i32>} : memref<128x32xf32, #tpu.memory_space<vmem>>, vector<16xf32>,
        %mul3A_120 = vector.broadcast %squeeze3A_109 : f32 to vector<16xf32>
        %mul3A_121 = arith.mulf %mul3A_120, %get3A_25 : vector<16xf32>
        %add3A_122 = arith.addf %mul3A_121, %get3A_31 : vector<16xf32>
        %mul3A_123 = arith.constant 16 : i32
        %mul3A_124 = arith.muli %scan3A_40, %mul3A_123 : i32
        %add3A_125 = arith.constant 3 : i32
        %add3A_126 = arith.addi %mul3A_124, %add3A_125 : i32
        %swap3A_127 = arith.index_cast %add3A_126 : i32 to index
        %swap3A_128 = arith.constant 16 : index
        %swap3A_129 = tpu.vector_load %arg17[%swap3A_127, %swap3A_128] {strides = array<i32>} : memref<128x32xf32, #tpu.memory_space<vmem>>, vector<16xf32>,
        tpu.vector_store %arg17[%swap3A_127, %swap3A_128], %add3A_122 {strides = array<i32>} : memref<128x32xf32, #tpu.memory_space<vmem>>, vector<16xf32>,
        %slice3A_130 = vector.extract_strided_slice %gather3A {offsets = [4], sizes = [1], strides = [1]} : vector<16xf32> to vector<1xf32>
        %squeeze3A_131 = vector.extract %slice3A_130[0] : f32 from vector<1xf32>
        %mul3A_132 = vector.broadcast %squeeze3A_131 : f32 to vector<16xf32>
        %mul3A_133 = arith.mulf %mul3A_132, %get3A_22 : vector<16xf32>
        %add3A_134 = arith.addf %mul3A_133, %get3A_28 : vector<16xf32>
        %mul3A_135 = arith.constant 16 : i32
        %mul3A_136 = arith.muli %scan3A_40, %mul3A_135 : i32
        %add3A_137 = arith.constant 4 : i32
        %add3A_138 = arith.addi %mul3A_136, %add3A_137 : i32
        %swap3A_139 = arith.index_cast %add3A_138 : i32 to index
        %swap3A_140 = arith.constant 0 : index
        %swap3A_141 = tpu.vector_load %arg17[%swap3A_139, %swap3A_140] {strides = array<i32>} : memref<128x32xf32, #tpu.memory_space<vmem>>, vector<16xf32>,
        tpu.vector_store %arg17[%swap3A_139, %swap3A_140], %add3A_134 {strides = array<i32>} : memref<128x32xf32, #tpu.memory_space<vmem>>, vector<16xf32>,
        %mul3A_142 = vector.broadcast %squeeze3A_131 : f32 to vector<16xf32>
        %mul3A_143 = arith.mulf %mul3A_142, %get3A_25 : vector<16xf32>
        %add3A_144 = arith.addf %mul3A_143, %get3A_31 : vector<16xf32>
        %mul3A_145 = arith.constant 16 : i32
        %mul3A_146 = arith.muli %scan3A_40, %mul3A_145 : i32
        %add3A_147 = arith.constant 4 : i32
        %add3A_148 = arith.addi %mul3A_146, %add3A_147 : i32
        %swap3A_149 = arith.index_cast %add3A_148 : i32 to index
        %swap3A_150 = arith.constant 16 : index
        %swap3A_151 = tpu.vector_load %arg17[%swap3A_149, %swap3A_150] {strides = array<i32>} : memref<128x32xf32, #tpu.memory_space<vmem>>, vector<16xf32>,
        tpu.vector_store %arg17[%swap3A_149, %swap3A_150], %add3A_144 {strides = array<i32>} : memref<128x32xf32, #tpu.memory_space<vmem>>, vector<16xf32>,
        %slice3A_152 = vector.extract_strided_slice %gather3A {offsets = [5], sizes = [1], strides = [1]} : vector<16xf32> to vector<1xf32>
        %squeeze3A_153 = vector.extract %slice3A_152[0] : f32 from vector<1xf32>
        %mul3A_154 = vector.broadcast %squeeze3A_153 : f32 to vector<16xf32>
        %mul3A_155 = arith.mulf %mul3A_154, %get3A_22 : vector<16xf32>
        %add3A_156 = arith.addf %mul3A_155, %get3A_28 : vector<16xf32>
        %mul3A_157 = arith.constant 16 : i32
        %mul3A_158 = arith.muli %scan3A_40, %mul3A_157 : i32
        %add3A_159 = arith.constant 5 : i32
        %add3A_160 = arith.addi %mul3A_158, %add3A_159 : i32
        %swap3A_161 = arith.index_cast %add3A_160 : i32 to index
        %swap3A_162 = arith.constant 0 : index
        %swap3A_163 = tpu.vector_load %arg17[%swap3A_161, %swap3A_162] {strides = array<i32>} : memref<128x32xf32, #tpu.memory_space<vmem>>, vector<16xf32>,
        tpu.vector_store %arg17[%swap3A_161, %swap3A_162], %add3A_156 {strides = array<i32>} : memref<128x32xf32, #tpu.memory_space<vmem>>, vector<16xf32>,
        %mul3A_164 = vector.broadcast %squeeze3A_153 : f32 to vector<16xf32>
        %mul3A_165 = arith.mulf %mul3A_164, %get3A_25 : vector<16xf32>
        %add3A_166 = arith.addf %mul3A_165, %get3A_31 : vector<16xf32>
        %mul3A_167 = arith.constant 16 : i32
        %mul3A_168 = arith.muli %scan3A_40, %mul3A_167 : i32
        %add3A_169 = arith.constant 5 : i32
        %add3A_170 = arith.addi %mul3A_168, %add3A_169 : i32
        %swap3A_171 = arith.index_cast %add3A_170 : i32 to index
        %swap3A_172 = arith.constant 16 : index
        %swap3A_173 = tpu.vector_load %arg17[%swap3A_171, %swap3A_172] {strides = array<i32>} : memref<128x32xf32, #tpu.memory_space<vmem>>, vector<16xf32>,
        tpu.vector_store %arg17[%swap3A_171, %swap3A_172], %add3A_166 {strides = array<i32>} : memref<128x32xf32, #tpu.memory_space<vmem>>, vector<16xf32>,
        %slice3A_174 = vector.extract_strided_slice %gather3A {offsets = [6], sizes = [1], strides = [1]} : vector<16xf32> to vector<1xf32>
        %squeeze3A_175 = vector.extract %slice3A_174[0] : f32 from vector<1xf32>
        %mul3A_176 = vector.broadcast %squeeze3A_175 : f32 to vector<16xf32>
        %mul3A_177 = arith.mulf %mul3A_176, %get3A_22 : vector<16xf32>
        %add3A_178 = arith.addf %mul3A_177, %get3A_28 : vector<16xf32>
        %mul3A_179 = arith.constant 16 : i32
        %mul3A_180 = arith.muli %scan3A_40, %mul3A_179 : i32
        %add3A_181 = arith.constant 6 : i32
        %add3A_182 = arith.addi %mul3A_180, %add3A_181 : i32
        %swap3A_183 = arith.index_cast %add3A_182 : i32 to index
        %swap3A_184 = arith.constant 0 : index
        %swap3A_185 = tpu.vector_load %arg17[%swap3A_183, %swap3A_184] {strides = array<i32>} : memref<128x32xf32, #tpu.memory_space<vmem>>, vector<16xf32>,
        tpu.vector_store %arg17[%swap3A_183, %swap3A_184], %add3A_178 {strides = array<i32>} : memref<128x32xf32, #tpu.memory_space<vmem>>, vector<16xf32>,
        %mul3A_186 = vector.broadcast %squeeze3A_175 : f32 to vector<16xf32>
        %mul3A_187 = arith.mulf %mul3A_186, %get3A_25 : vector<16xf32>
        %add3A_188 = arith.addf %mul3A_187, %get3A_31 : vector<16xf32>
        %mul3A_189 = arith.constant 16 : i32
        %mul3A_190 = arith.muli %scan3A_40, %mul3A_189 : i32
        %add3A_191 = arith.constant 6 : i32
        %add3A_192 = arith.addi %mul3A_190, %add3A_191 : i32
        %swap3A_193 = arith.index_cast %add3A_192 : i32 to index
        %swap3A_194 = arith.constant 16 : index
        %swap3A_195 = tpu.vector_load %arg17[%swap3A_193, %swap3A_194] {strides = array<i32>} : memref<128x32xf32, #tpu.memory_space<vmem>>, vector<16xf32>,
        tpu.vector_store %arg17[%swap3A_193, %swap3A_194], %add3A_188 {strides = array<i32>} : memref<128x32xf32, #tpu.memory_space<vmem>>, vector<16xf32>,
        %slice3A_196 = vector.extract_strided_slice %gather3A {offsets = [7], sizes = [1], strides = [1]} : vector<16xf32> to vector<1xf32>
        %squeeze3A_197 = vector.extract %slice3A_196[0] : f32 from vector<1xf32>
        %mul3A_198 = vector.broadcast %squeeze3A_197 : f32 to vector<16xf32>
        %mul3A_199 = arith.mulf %mul3A_198, %get3A_22 : vector<16xf32>
        %add3A_200 = arith.addf %mul3A_199, %get3A_28 : vector<16xf32>
        %mul3A_201 = arith.constant 16 : i32
        %mul3A_202 = arith.muli %scan3A_40, %mul3A_201 : i32
        %add3A_203 = arith.constant 7 : i32
        %add3A_204 = arith.addi %mul3A_202, %add3A_203 : i32
        %swap3A_205 = arith.index_cast %add3A_204 : i32 to index
        %swap3A_206 = arith.constant 0 : index
        %swap3A_207 = tpu.vector_load %arg17[%swap3A_205, %swap3A_206] {strides = array<i32>} : memref<128x32xf32, #tpu.memory_space<vmem>>, vector<16xf32>,
        tpu.vector_store %arg17[%swap3A_205, %swap3A_206], %add3A_200 {strides = array<i32>} : memref<128x32xf32, #tpu.memory_space<vmem>>, vector<16xf32>,
        %mul3A_208 = vector.broadcast %squeeze3A_197 : f32 to vector<16xf32>
        %mul3A_209 = arith.mulf %mul3A_208, %get3A_25 : vector<16xf32>
        %add3A_210 = arith.addf %mul3A_209, %get3A_31 : vector<16xf32>
        %mul3A_211 = arith.constant 16 : i32
        %mul3A_212 = arith.muli %scan3A_40, %mul3A_211 : i32
        %add3A_213 = arith.constant 7 : i32
        %add3A_214 = arith.addi %mul3A_212, %add3A_213 : i32
        %swap3A_215 = arith.index_cast %add3A_214 : i32 to index
        %swap3A_216 = arith.constant 16 : index
        %swap3A_217 = tpu.vector_load %arg17[%swap3A_215, %swap3A_216] {strides = array<i32>} : memref<128x32xf32, #tpu.memory_space<vmem>>, vector<16xf32>,
        tpu.vector_store %arg17[%swap3A_215, %swap3A_216], %add3A_210 {strides = array<i32>} : memref<128x32xf32, #tpu.memory_space<vmem>>, vector<16xf32>,
        %slice3A_218 = vector.extract_strided_slice %gather3A {offsets = [8], sizes = [1], strides = [1]} : vector<16xf32> to vector<1xf32>
        %squeeze3A_219 = vector.extract %slice3A_218[0] : f32 from vector<1xf32>
        %mul3A_220 = vector.broadcast %squeeze3A_219 : f32 to vector<16xf32>
        %mul3A_221 = arith.mulf %mul3A_220, %get3A_22 : vector<16xf32>
        %add3A_222 = arith.addf %mul3A_221, %get3A_28 : vector<16xf32>
        %mul3A_223 = arith.constant 16 : i32
        %mul3A_224 = arith.muli %scan3A_40, %mul3A_223 : i32
        %add3A_225 = arith.constant 8 : i32
        %add3A_226 = arith.addi %mul3A_224, %add3A_225 : i32
        %swap3A_227 = arith.index_cast %add3A_226 : i32 to index
        %swap3A_228 = arith.constant 0 : index
        %swap3A_229 = tpu.vector_load %arg17[%swap3A_227, %swap3A_228] {strides = array<i32>} : memref<128x32xf32, #tpu.memory_space<vmem>>, vector<16xf32>,
        tpu.vector_store %arg17[%swap3A_227, %swap3A_228], %add3A_222 {strides = array<i32>} : memref<128x32xf32, #tpu.memory_space<vmem>>, vector<16xf32>,
        %mul3A_230 = vector.broadcast %squeeze3A_219 : f32 to vector<16xf32>
        %mul3A_231 = arith.mulf %mul3A_230, %get3A_25 : vector<16xf32>
        %add3A_232 = arith.addf %mul3A_231, %get3A_31 : vector<16xf32>
        %mul3A_233 = arith.constant 16 : i32
        %mul3A_234 = arith.muli %scan3A_40, %mul3A_233 : i32
        %add3A_235 = arith.constant 8 : i32
        %add3A_236 = arith.addi %mul3A_234, %add3A_235 : i32
        %swap3A_237 = arith.index_cast %add3A_236 : i32 to index
        %swap3A_238 = arith.constant 16 : index
        %swap3A_239 = tpu.vector_load %arg17[%swap3A_237, %swap3A_238] {strides = array<i32>} : memref<128x32xf32, #tpu.memory_space<vmem>>, vector<16xf32>,
        tpu.vector_store %arg17[%swap3A_237, %swap3A_238], %add3A_232 {strides = array<i32>} : memref<128x32xf32, #tpu.memory_space<vmem>>, vector<16xf32>,
        %slice3A_240 = vector.extract_strided_slice %gather3A {offsets = [9], sizes = [1], strides = [1]} : vector<16xf32> to vector<1xf32>
        %squeeze3A_241 = vector.extract %slice3A_240[0] : f32 from vector<1xf32>
        %mul3A_242 = vector.broadcast %squeeze3A_241 : f32 to vector<16xf32>
        %mul3A_243 = arith.mulf %mul3A_242, %get3A_22 : vector<16xf32>
        %add3A_244 = arith.addf %mul3A_243, %get3A_28 : vector<16xf32>
        %mul3A_245 = arith.constant 16 : i32
        %mul3A_246 = arith.muli %scan3A_40, %mul3A_245 : i32
        %add3A_247 = arith.constant 9 : i32
        %add3A_248 = arith.addi %mul3A_246, %add3A_247 : i32
        %swap3A_249 = arith.index_cast %add3A_248 : i32 to index
        %swap3A_250 = arith.constant 0 : index
        %swap3A_251 = tpu.vector_load %arg17[%swap3A_249, %swap3A_250] {strides = array<i32>} : memref<128x32xf32, #tpu.memory_space<vmem>>, vector<16xf32>,
        tpu.vector_store %arg17[%swap3A_249, %swap3A_250], %add3A_244 {strides = array<i32>} : memref<128x32xf32, #tpu.memory_space<vmem>>, vector<16xf32>,
        %mul3A_252 = vector.broadcast %squeeze3A_241 : f32 to vector<16xf32>
        %mul3A_253 = arith.mulf %mul3A_252, %get3A_25 : vector<16xf32>
        %add3A_254 = arith.addf %mul3A_253, %get3A_31 : vector<16xf32>
        %mul3A_255 = arith.constant 16 : i32
        %mul3A_256 = arith.muli %scan3A_40, %mul3A_255 : i32
        %add3A_257 = arith.constant 9 : i32
        %add3A_258 = arith.addi %mul3A_256, %add3A_257 : i32
        %swap3A_259 = arith.index_cast %add3A_258 : i32 to index
        %swap3A_260 = arith.constant 16 : index
        %swap3A_261 = tpu.vector_load %arg17[%swap3A_259, %swap3A_260] {strides = array<i32>} : memref<128x32xf32, #tpu.memory_space<vmem>>, vector<16xf32>,
        tpu.vector_store %arg17[%swap3A_259, %swap3A_260], %add3A_254 {strides = array<i32>} : memref<128x32xf32, #tpu.memory_space<vmem>>, vector<16xf32>,
        %slice3A_262 = vector.extract_strided_slice %gather3A {offsets = [10], sizes = [1], strides = [1]} : vector<16xf32> to vector<1xf32>
        %squeeze3A_263 = vector.extract %slice3A_262[0] : f32 from vector<1xf32>
        %mul3A_264 = vector.broadcast %squeeze3A_263 : f32 to vector<16xf32>
        %mul3A_265 = arith.mulf %mul3A_264, %get3A_22 : vector<16xf32>
        %add3A_266 = arith.addf %mul3A_265, %get3A_28 : vector<16xf32>
        %mul3A_267 = arith.constant 16 : i32
        %mul3A_268 = arith.muli %scan3A_40, %mul3A_267 : i32
        %add3A_269 = arith.constant 10 : i32
        %add3A_270 = arith.addi %mul3A_268, %add3A_269 : i32
        %swap3A_271 = arith.index_cast %add3A_270 : i32 to index
        %swap3A_272 = arith.constant 0 : index
        %swap3A_273 = tpu.vector_load %arg17[%swap3A_271, %swap3A_272] {strides = array<i32>} : memref<128x32xf32, #tpu.memory_space<vmem>>, vector<16xf32>,
        tpu.vector_store %arg17[%swap3A_271, %swap3A_272], %add3A_266 {strides = array<i32>} : memref<128x32xf32, #tpu.memory_space<vmem>>, vector<16xf32>,
        %mul3A_274 = vector.broadcast %squeeze3A_263 : f32 to vector<16xf32>
        %mul3A_275 = arith.mulf %mul3A_274, %get3A_25 : vector<16xf32>
        %add3A_276 = arith.addf %mul3A_275, %get3A_31 : vector<16xf32>
        %mul3A_277 = arith.constant 16 : i32
        %mul3A_278 = arith.muli %scan3A_40, %mul3A_277 : i32
        %add3A_279 = arith.constant 10 : i32
        %add3A_280 = arith.addi %mul3A_278, %add3A_279 : i32
        %swap3A_281 = arith.index_cast %add3A_280 : i32 to index
        %swap3A_282 = arith.constant 16 : index
        %swap3A_283 = tpu.vector_load %arg17[%swap3A_281, %swap3A_282] {strides = array<i32>} : memref<128x32xf32, #tpu.memory_space<vmem>>, vector<16xf32>,
        tpu.vector_store %arg17[%swap3A_281, %swap3A_282], %add3A_276 {strides = array<i32>} : memref<128x32xf32, #tpu.memory_space<vmem>>, vector<16xf32>,
        %slice3A_284 = vector.extract_strided_slice %gather3A {offsets = [11], sizes = [1], strides = [1]} : vector<16xf32> to vector<1xf32>
        %squeeze3A_285 = vector.extract %slice3A_284[0] : f32 from vector<1xf32>
        %mul3A_286 = vector.broadcast %squeeze3A_285 : f32 to vector<16xf32>
        %mul3A_287 = arith.mulf %mul3A_286, %get3A_22 : vector<16xf32>
        %add3A_288 = arith.addf %mul3A_287, %get3A_28 : vector<16xf32>
        %mul3A_289 = arith.constant 16 : i32
        %mul3A_290 = arith.muli %scan3A_40, %mul3A_289 : i32
        %add3A_291 = arith.constant 11 : i32
        %add3A_292 = arith.addi %mul3A_290, %add3A_291 : i32
        %swap3A_293 = arith.index_cast %add3A_292 : i32 to index
        %swap3A_294 = arith.constant 0 : index
        %swap3A_295 = tpu.vector_load %arg17[%swap3A_293, %swap3A_294] {strides = array<i32>} : memref<128x32xf32, #tpu.memory_space<vmem>>, vector<16xf32>,
        tpu.vector_store %arg17[%swap3A_293, %swap3A_294], %add3A_288 {strides = array<i32>} : memref<128x32xf32, #tpu.memory_space<vmem>>, vector<16xf32>,
        %mul3A_296 = vector.broadcast %squeeze3A_285 : f32 to vector<16xf32>
        %mul3A_297 = arith.mulf %mul3A_296, %get3A_25 : vector<16xf32>
        %add3A_298 = arith.addf %mul3A_297, %get3A_31 : vector<16xf32>
        %mul3A_299 = arith.constant 16 : i32
        %mul3A_300 = arith.muli %scan3A_40, %mul3A_299 : i32
        %add3A_301 = arith.constant 11 : i32
        %add3A_302 = arith.addi %mul3A_300, %add3A_301 : i32
        %swap3A_303 = arith.index_cast %add3A_302 : i32 to index
        %swap3A_304 = arith.constant 16 : index
        %swap3A_305 = tpu.vector_load %arg17[%swap3A_303, %swap3A_304] {strides = array<i32>} : memref<128x32xf32, #tpu.memory_space<vmem>>, vector<16xf32>,
        tpu.vector_store %arg17[%swap3A_303, %swap3A_304], %add3A_298 {strides = array<i32>} : memref<128x32xf32, #tpu.memory_space<vmem>>, vector<16xf32>,
        %slice3A_306 = vector.extract_strided_slice %gather3A {offsets = [12], sizes = [1], strides = [1]} : vector<16xf32> to vector<1xf32>
        %squeeze3A_307 = vector.extract %slice3A_306[0] : f32 from vector<1xf32>
        %mul3A_308 = vector.broadcast %squeeze3A_307 : f32 to vector<16xf32>
        %mul3A_309 = arith.mulf %mul3A_308, %get3A_22 : vector<16xf32>
        %add3A_310 = arith.addf %mul3A_309, %get3A_28 : vector<16xf32>
        %mul3A_311 = arith.constant 16 : i32
        %mul3A_312 = arith.muli %scan3A_40, %mul3A_311 : i32
        %add3A_313 = arith.constant 12 : i32
        %add3A_314 = arith.addi %mul3A_312, %add3A_313 : i32
        %swap3A_315 = arith.index_cast %add3A_314 : i32 to index
        %swap3A_316 = arith.constant 0 : index
        %swap3A_317 = tpu.vector_load %arg17[%swap3A_315, %swap3A_316] {strides = array<i32>} : memref<128x32xf32, #tpu.memory_space<vmem>>, vector<16xf32>,
        tpu.vector_store %arg17[%swap3A_315, %swap3A_316], %add3A_310 {strides = array<i32>} : memref<128x32xf32, #tpu.memory_space<vmem>>, vector<16xf32>,
        %mul3A_318 = vector.broadcast %squeeze3A_307 : f32 to vector<16xf32>
        %mul3A_319 = arith.mulf %mul3A_318, %get3A_25 : vector<16xf32>
        %add3A_320 = arith.addf %mul3A_319, %get3A_31 : vector<16xf32>
        %mul3A_321 = arith.constant 16 : i32
        %mul3A_322 = arith.muli %scan3A_40, %mul3A_321 : i32
        %add3A_323 = arith.constant 12 : i32
        %add3A_324 = arith.addi %mul3A_322, %add3A_323 : i32
        %swap3A_325 = arith.index_cast %add3A_324 : i32 to index
        %swap3A_326 = arith.constant 16 : index
        %swap3A_327 = tpu.vector_load %arg17[%swap3A_325, %swap3A_326] {strides = array<i32>} : memref<128x32xf32, #tpu.memory_space<vmem>>, vector<16xf32>,
        tpu.vector_store %arg17[%swap3A_325, %swap3A_326], %add3A_320 {strides = array<i32>} : memref<128x32xf32, #tpu.memory_space<vmem>>, vector<16xf32>,
        %slice3A_328 = vector.extract_strided_slice %gather3A {offsets = [13], sizes = [1], strides = [1]} : vector<16xf32> to vector<1xf32>
        %squeeze3A_329 = vector.extract %slice3A_328[0] : f32 from vector<1xf32>
        %mul3A_330 = vector.broadcast %squeeze3A_329 : f32 to vector<16xf32>
        %mul3A_331 = arith.mulf %mul3A_330, %get3A_22 : vector<16xf32>
        %add3A_332 = arith.addf %mul3A_331, %get3A_28 : vector<16xf32>
        %mul3A_333 = arith.constant 16 : i32
        %mul3A_334 = arith.muli %scan3A_40, %mul3A_333 : i32
        %add3A_335 = arith.constant 13 : i32
        %add3A_336 = arith.addi %mul3A_334, %add3A_335 : i32
        %swap3A_337 = arith.index_cast %add3A_336 : i32 to index
        %swap3A_338 = arith.constant 0 : index
        %swap3A_339 = tpu.vector_load %arg17[%swap3A_337, %swap3A_338] {strides = array<i32>} : memref<128x32xf32, #tpu.memory_space<vmem>>, vector<16xf32>,
        tpu.vector_store %arg17[%swap3A_337, %swap3A_338], %add3A_332 {strides = array<i32>} : memref<128x32xf32, #tpu.memory_space<vmem>>, vector<16xf32>,
        %mul3A_340 = vector.broadcast %squeeze3A_329 : f32 to vector<16xf32>
        %mul3A_341 = arith.mulf %mul3A_340, %get3A_25 : vector<16xf32>
        %add3A_342 = arith.addf %mul3A_341, %get3A_31 : vector<16xf32>
        %mul3A_343 = arith.constant 16 : i32
        %mul3A_344 = arith.muli %scan3A_40, %mul3A_343 : i32
        %add3A_345 = arith.constant 13 : i32
        %add3A_346 = arith.addi %mul3A_344, %add3A_345 : i32
        %swap3A_347 = arith.index_cast %add3A_346 : i32 to index
        %swap3A_348 = arith.constant 16 : index
        %swap3A_349 = tpu.vector_load %arg17[%swap3A_347, %swap3A_348] {strides = array<i32>} : memref<128x32xf32, #tpu.memory_space<vmem>>, vector<16xf32>,
        tpu.vector_store %arg17[%swap3A_347, %swap3A_348], %add3A_342 {strides = array<i32>} : memref<128x32xf32, #tpu.memory_space<vmem>>, vector<16xf32>,
        %slice3A_350 = vector.extract_strided_slice %gather3A {offsets = [14], sizes = [1], strides = [1]} : vector<16xf32> to vector<1xf32>
        %squeeze3A_351 = vector.extract %slice3A_350[0] : f32 from vector<1xf32>
        %mul3A_352 = vector.broadcast %squeeze3A_351 : f32 to vector<16xf32>
        %mul3A_353 = arith.mulf %mul3A_352, %get3A_22 : vector<16xf32>
        %add3A_354 = arith.addf %mul3A_353, %get3A_28 : vector<16xf32>
        %mul3A_355 = arith.constant 16 : i32
        %mul3A_356 = arith.muli %scan3A_40, %mul3A_355 : i32
        %add3A_357 = arith.constant 14 : i32
        %add3A_358 = arith.addi %mul3A_356, %add3A_357 : i32
        %swap3A_359 = arith.index_cast %add3A_358 : i32 to index
        %swap3A_360 = arith.constant 0 : index
        %swap3A_361 = tpu.vector_load %arg17[%swap3A_359, %swap3A_360] {strides = array<i32>} : memref<128x32xf32, #tpu.memory_space<vmem>>, vector<16xf32>,
        tpu.vector_store %arg17[%swap3A_359, %swap3A_360], %add3A_354 {strides = array<i32>} : memref<128x32xf32, #tpu.memory_space<vmem>>, vector<16xf32>,
        %mul3A_362 = vector.broadcast %squeeze3A_351 : f32 to vector<16xf32>
        %mul3A_363 = arith.mulf %mul3A_362, %get3A_25 : vector<16xf32>
        %add3A_364 = arith.addf %mul3A_363, %get3A_31 : vector<16xf32>
        %mul3A_365 = arith.constant 16 : i32
        %mul3A_366 = arith.muli %scan3A_40, %mul3A_365 : i32
        %add3A_367 = arith.constant 14 : i32
        %add3A_368 = arith.addi %mul3A_366, %add3A_367 : i32
        %swap3A_369 = arith.index_cast %add3A_368 : i32 to index
        %swap3A_370 = arith.constant 16 : index
        %swap3A_371 = tpu.vector_load %arg17[%swap3A_369, %swap3A_370] {strides = array<i32>} : memref<128x32xf32, #tpu.memory_space<vmem>>, vector<16xf32>,
        tpu.vector_store %arg17[%swap3A_369, %swap3A_370], %add3A_364 {strides = array<i32>} : memref<128x32xf32, #tpu.memory_space<vmem>>, vector<16xf32>,
        %slice3A_372 = vector.extract_strided_slice %gather3A {offsets = [15], sizes = [1], strides = [1]} : vector<16xf32> to vector<1xf32>
        %squeeze3A_373 = vector.extract %slice3A_372[0] : f32 from vector<1xf32>
        %mul3A_374 = vector.broadcast %squeeze3A_373 : f32 to vector<16xf32>
        %mul3A_375 = arith.mulf %mul3A_374, %get3A_22 : vector<16xf32>
        %add3A_376 = arith.addf %mul3A_375, %get3A_28 : vector<16xf32>
        %mul3A_377 = arith.constant 16 : i32
        %mul3A_378 = arith.muli %scan3A_40, %mul3A_377 : i32
        %add3A_379 = arith.constant 15 : i32
        %add3A_380 = arith.addi %mul3A_378, %add3A_379 : i32
        %swap3A_381 = arith.index_cast %add3A_380 : i32 to index
        %swap3A_382 = arith.constant 0 : index
        %swap3A_383 = tpu.vector_load %arg17[%swap3A_381, %swap3A_382] {strides = array<i32>} : memref<128x32xf32, #tpu.memory_space<vmem>>, vector<16xf32>,
        tpu.vector_store %arg17[%swap3A_381, %swap3A_382], %add3A_376 {strides = array<i32>} : memref<128x32xf32, #tpu.memory_space<vmem>>, vector<16xf32>,
        %mul3A_384 = vector.broadcast %squeeze3A_373 : f32 to vector<16xf32>
        %mul3A_385 = arith.mulf %mul3A_384, %get3A_25 : vector<16xf32>
        %add3A_386 = arith.addf %mul3A_385, %get3A_31 : vector<16xf32>
        %mul3A_387 = arith.constant 16 : i32
        %mul3A_388 = arith.muli %scan3A_40, %mul3A_387 : i32
        %add3A_389 = arith.constant 15 : i32
        %add3A_390 = arith.addi %mul3A_388, %add3A_389 : i32
        %swap3A_391 = arith.index_cast %add3A_390 : i32 to index
        %swap3A_392 = arith.constant 16 : index
        %swap3A_393 = tpu.vector_load %arg17[%swap3A_391, %swap3A_392] {strides = array<i32>} : memref<128x32xf32, #tpu.memory_space<vmem>>, vector<16xf32>,
        tpu.vector_store %arg17[%swap3A_391, %swap3A_392], %add3A_386 {strides = array<i32>} : memref<128x32xf32, #tpu.memory_space<vmem>>, vector<16xf32>,
      }
      %scan3A_37 = arith.constant 8 : i32
      %add3A_38 = arith.constant 13 : i32
      %add3A_39 = arith.addi %add3A_38, %scan3A_20 : i32
      "tpu.region"() ({
        %run_scoped3A = tpu.sem_alloc : memref<!tpu.dma_semaphore, #tpu.memory_space<semaphore_mem>>
        %dma_start3A = arith.constant 0 : i32
        %dma_start3A_40 = tpu.memref_slice %arg10[%mul3A_2, %add3A_39, %dma_start3A] : memref<4096x26x32xf32, #tpu.memory_space<hbm>> -> memref<128x1x32xf32, #tpu.memory_space<hbm>>
        %dma_start3A_41 = tpu.memref_squeeze %dma_start3A_40 : memref<128x1x32xf32, #tpu.memory_space<hbm>> -> memref<128x32xf32, #tpu.memory_space<hbm>>
        %dma_start3A_42 = arith.constant 0 : i32
        %dma_start3A_43 = tpu.memref_slice %arg10[%mul3A_2, %add3A_39, %dma_start3A_42] : memref<4096x26x32xf32, #tpu.memory_space<hbm>> -> memref<128x1x32xf32, #tpu.memory_space<hbm>>
        %dma_start3A_44 = tpu.memref_squeeze %dma_start3A_43 : memref<128x1x32xf32, #tpu.memory_space<hbm>> -> memref<128x32xf32, #tpu.memory_space<hbm>>
        tpu.enqueue_dma source(%arg17 : memref<128x32xf32, #tpu.memory_space<vmem>>) target(%dma_start3A_44 : memref<128x32xf32, #tpu.memory_space<hbm>>) target_semaphore(%run_scoped3A : memref<!tpu.dma_semaphore, #tpu.memory_space<semaphore_mem>>)
        %dma_wait3A = arith.constant 0 : i32
        %dma_wait3A_45 = tpu.memref_slice %arg10[%mul3A_2, %add3A_39, %dma_wait3A] : memref<4096x26x32xf32, #tpu.memory_space<hbm>> -> memref<128x1x32xf32, #tpu.memory_space<hbm>>
        %dma_wait3A_46 = tpu.memref_squeeze %dma_wait3A_45 : memref<128x1x32xf32, #tpu.memory_space<hbm>> -> memref<128x32xf32, #tpu.memory_space<hbm>>
        %dma_wait3A_47 = arith.constant 0 : i32
        %dma_wait3A_48 = tpu.memref_slice %arg10[%mul3A_2, %add3A_39, %dma_wait3A_47] : memref<4096x26x32xf32, #tpu.memory_space<hbm>> -> memref<128x1x32xf32, #tpu.memory_space<hbm>>
        %dma_wait3A_49 = tpu.memref_squeeze %dma_wait3A_48 : memref<128x1x32xf32, #tpu.memory_space<hbm>> -> memref<128x32xf32, #tpu.memory_space<hbm>>
        tpu.wait_dma2 semaphore(%run_scoped3A : memref<!tpu.dma_semaphore, #tpu.memory_space<semaphore_mem>>) src(%arg17 : memref<128x32xf32, #tpu.memory_space<vmem>>) dst(%dma_wait3A_49 : memref<128x32xf32, #tpu.memory_space<hbm>>)
        tpu.yield
      }) : () -> ()
    }
    %scan3A_19 = arith.constant 13 : i32
    return
  }
}

</mosaic_0001>

<sc_bundles>
// kernel: kernel.3.cloned.1.call-start
scs
__scs_entry_jumppad:
0x0: {  	(pc) =	sbr.rel $0x88, $3  }
0x1: {  	(tag) =	ssettag $0x0;
	lr =	simm.s32 $0x1  }
0x2: {  	[smem:$0x3F9A] =	sst lr;
	_ =	strace $0xD0000000  }
0x3: {  	_ = 	snop  }
0x4: {  	_ = 	snop  }
0x5: {  	_ = 	snop  }
0x6: {  	_ = 	snop  }
0x7: {  	_ = 	snop  }
__scs_overlays_trampoline_lowered:
0x8: {  	[smem:$0x3FA9] =	sst s0  }
0x9: {  	[smem:$0x3FAA] =	sst s1  }
0xa: {  	[smem:$0x3FAB] =	sst s2  }
0xb: {  	[smem:$0x3FAC] =	sst s3  }
0xc: {  	[smem:$0x3FAD] =	sst s4  }
0xd: {  	[smem:$0x3FAE] =	sst s5  }
0xe: {  	[smem:$0x3FAF] =	sst s6  }
0xf: {  	[smem:$0x3FB0] =	sst s7  }
0x10: {  	[smem:$0x3FB1] =	sst s8  }
0x11: {  	[smem:$0x3FB2] =	sst s9;
	s0 =	simm.s32 @!p0 $0x0  }
0x12: {  	s1 =	sld [smem:$0x3F98];
	s0 =	simm.s32 @p0 $0x1  }
0x13: {  	[smem:$0x3FB3] =	sst s0;
	s0 =	simm.s32 @!p1 $0x0  }
0x14: {  	s2 =	sld [smem:$0x3F97];
	s0 =	simm.s32 @p1 $0x1  }
0x15: {  	[smem:$0x3FB4] =	sst s0;
	s0 =	simm.s32 @!p2 $0x0  }
0x16: {  	s3 =	sld [smem:$0x3FDB];
	s0 =	simm.s32 @p2 $0x1  }
0x17: {  	s4 =	simm.s32 $0x1BF5;
	[smem:$0x3FB6] =	sst s0  }
0x18: {  	s0 =	sld [smem:$0x3F99];
	_ =	swait.ge [sflag:s4], $0x0  }
0x19: {  	s7 =	sld [smem:$0x3F9A]  }
0x1a: {  	s8 =	sadd.s32 $0xFFFFE003, lr  }
0x1b: {  	s9 =	sadd.s32 $0xFFFFFEF7, lr;
	s5 =	simm.s32 $0xFFFFFFFF;
	p2 =	slt.u32 s8, $0xFFFFF086  }
0x1c: {  	p1 =	slt.u32 s9, $0xF7A;
	s5 =	simm.s32 @!p2 $0x0  }
0x1d: {  	s5 =	simm.s32 @p1 $0x1;
	p0 =	seq.s32 s7, s2  }
0x1e: {  	s7 =	smul.u32 @!p0 $0xF7A, s2;
	p2 =	seq.s32 @!p0 s5, $0x0  }
0x1f: {  	s9 =	smul.u32 $0xF7A, s1;
	s8 =	simm.s32 @!p0 $0x1BF5;
	p2 =	por !p2, p0  }
0x20: {  	[sflag:s8] =	ssyncset.s32 @!p0 $0xFFFFF086;
	s6 =	sadd.s32 @!p0 s3, s7;
	s7 =	simm.s32 @!p0 $0x108  }
0x21: {  	s3 =	sadd.s32 s3, s9;
	s6 =	sadd.s32 @!p0 $0x88, s6;
	s7 =	simm.s32 @p2 $0x1082  }
0x22: {  	[simem:s7], [sflag:s8] =	dma.local @!p0 [hbm:s6], $0xF7A  }
0x23: {  	s9 =	sor.u32 $0xD0000000, s2;
	s6 =	simm.s32 $0x108;
	_ =	swait.ge @!p0 [sflag:s8], $0x0  }
0x24: {  	s3 =	sadd.s32 $0x88, s3;
	s6 =	simm.s32 @!p1 $0x1082;
	[sflag:s4] =	ssyncset.s32 $0xFFFFF086  }
0x25: {  	[simem:s6], [sflag:s4] =	dma.local [hbm:s3], $0xF7A  }
0x26: {  	[smem:$0x3F9A] =	sst s1;
	(tag) =	ssettag s2;
	_ =	strace s9  }
0x27: {  	s1 =	sld [smem:$0x3FAA]  }
0x28: {  	s2 =	sld [smem:$0x3FAB]  }
0x29: {  	s4 =	sld [smem:$0x3FAD]  }
0x2a: {  	p0 =	seq.s32 s5, $0x0;
	s5 =	sld [smem:$0x3FAE]  }
0x2b: {  	s6 =	sld [smem:$0x3FAF]  }
0x2c: {  	s7 =	sld [smem:$0x3FB0]  }
0x2d: {  	s3 =	simm.s32 $0x108;
	s8 =	sld [smem:$0x3FB1]  }
0x2e: {  	s3 =	simm.s32 @!p0 $0x1082;
	s9 =	sld [smem:$0x3FB2]  }
0x2f: {  	lr =	sadd.s32 s0, s3;
	s0 =	sld [smem:$0x3FA9]  }
0x30: {  	s3 =	sld [smem:$0x3FAC]  }
0x31: {  	[smem:$0x3FB5] =	sst s10  }
0x32: {  	s10 =	sld [smem:$0x3FB3];
	_ =	sdelay $0x3  }
0x33: {  	p0 =	seq.s32 s10, $0x1;
	s10 =	sld [smem:$0x3FB5];
	_ =	sdelay $0x3  }
0x34: {  	[smem:$0x3FB5] =	sst s10  }
0x35: {  	s10 =	sld [smem:$0x3FB4];
	_ =	sdelay $0x3  }
0x36: {  	p1 =	seq.s32 s10, $0x1;
	s10 =	sld [smem:$0x3FB5];
	_ =	sdelay $0x3  }
0x37: {  	[smem:$0x3FB5] =	sst s10  }
0x38: {  	s10 =	sld [smem:$0x3FB6]  }
0x39: {  	_ = 	snop;
	(pc) =	sbr.ind lr, $3  }
0x3a: {  	_ = 	snop  }
0x3b: {  	_ = 	snop  }
0x3c: {  	p2 =	seq.s32 s10, $0x1;
	s10 =	sld [smem:$0x3FB5]  }
0x3d: {  	_ =	shalt  }
0x3e: {  	_ =	shalt  }
0x3f: {  	_ =	shalt  }
0x40: {  	_ =	shalt  }
0x41: {  	_ =	shalt  }
0x42: {  	_ =	shalt  }
0x43: {  	_ =	shalt  }
0x44: {  	_ =	shalt  }
0x45: {  	_ =	shalt  }
0x46: {  	_ =	shalt  }
0x47: {  	_ =	shalt  }
0x48: {  	_ =	shalt  }
0x49: {  	_ =	shalt  }
0x4a: {  	_ =	shalt  }
0x4b: {  	_ =	shalt  }
0x4c: {  	_ =	shalt  }
0x4d: {  	_ =	shalt  }
0x4e: {  	_ =	shalt  }
0x4f: {  	_ =	shalt  }
0x50: {  	_ =	shalt  }
0x51: {  	_ =	shalt  }
0x52: {  	_ =	shalt  }
0x53: {  	_ =	shalt  }
0x54: {  	_ =	shalt  }
0x55: {  	_ =	shalt  }
0x56: {  	_ =	shalt  }
0x57: {  	_ =	shalt  }
0x58: {  	_ =	shalt  }
0x59: {  	_ =	shalt  }
0x5a: {  	_ =	shalt  }
0x5b: {  	_ =	shalt  }
0x5c: {  	_ =	shalt  }
0x5d: {  	_ =	shalt  }
0x5e: {  	_ =	shalt  }
0x5f: {  	_ =	shalt  }
0x60: {  	_ =	shalt  }
0x61: {  	_ =	shalt  }
0x62: {  	_ =	shalt  }
0x63: {  	_ =	shalt  }
0x64: {  	_ =	shalt  }
0x65: {  	_ =	shalt  }
0x66: {  	_ =	shalt  }
0x67: {  	_ =	shalt  }
0x68: {  	_ =	shalt  }
0x69: {  	_ =	shalt  }
0x6a: {  	_ =	shalt  }
0x6b: {  	_ =	shalt  }
0x6c: {  	_ =	shalt  }
0x6d: {  	_ =	shalt  }
0x6e: {  	_ =	shalt  }
0x6f: {  	_ =	shalt  }
0x70: {  	_ =	shalt  }
0x71: {  	_ =	shalt  }
0x72: {  	_ =	shalt  }
0x73: {  	_ =	shalt  }
0x74: {  	_ =	shalt  }
0x75: {  	_ =	shalt  }
0x76: {  	_ =	shalt  }
0x77: {  	_ =	shalt  }
0x78: {  	_ =	shalt  }
0x79: {  	_ =	shalt  }
0x7a: {  	_ =	shalt  }
0x7b: {  	_ =	shalt  }
0x7c: {  	_ =	shalt  }
0x7d: {  	_ =	shalt  }
0x7e: {  	_ =	shalt  }
0x7f: {  	_ =	shalt  }
0x80: {  	_ =	shalt  }
0x81: {  	_ =	shalt  }
0x82: {  	_ =	shalt  }
0x83: {  	_ =	shalt  }
0x84: {  	_ =	shalt  }
0x85: {  	_ =	shalt  }
0x86: {  	_ =	shalt  }
0x87: {  	_ =	shalt  }
.Lfunc_end0:
.L_simem_size_0:
called_computation_lowered:
.L_overlay_start_0:
0x88: {  	s2 =	sld [smem:$0x3FD9]  }
0x89: {  	s3 =	sld [smem:$0x3FFE];
	_ =	sdelay $0x1  }
0x8a: {  	s1 =	srdreg.scid  }
0x8b: {  	s0 =	sand.u32 $0x1, s1  }
0x8c: {  	s14 =	sshll.u32 s0, $0xA;
	s2 =	sadd.s32 s3, s2  }
0x8d: {  	s2 =	sadd.s32 s2, s14  }
0x8e: {  	[smem:$0x3FC1] =	sst s2  }
0x8f: {  	_ = 	snop  }
0x90: {  	s2 =	sld [smem:$0x3FD0];
	_ =	sdelay $0x2  }
0x91: {  	s15 =	simm.s32 $0xA;
	s4 =	simm.s32 $0x10  }
0x92: {  	[smem:s4], [sflag:s15] =	dma.local [hbm:s2], $0x1  }
0x93: {  	_ =	swait.eq [sflag:s15], $0x1  }
0x94: {  	[sflag:s15] =	ssyncset.done $0x0  }
0x95: {  	s16 =	sld [smem:$0x10];
	[sflag:s15] =	ssyncadd.s32 $0xFFFFFFFF  }
0x96: {  	s17 =	sld [smem:$0x11];
	(tm) =	ssettm $0x1  }
0x97: {  	s18 =	sld [smem:$0x3FFB];
	_ =	sdelay $0x3  }
0x98: {  	_ =	strace s18  }
0x99: {  	s4 =	sld [smem:$0x3FFC];
	_ =	sdelay $0x3  }
0x9a: {  	_ =	strace s4  }
0x9b: {  	s4 =	sld [smem:$0x3FFD];
	_ =	sdelay $0x3  }
0x9c: {  	_ =	strace s4  }
0x9d: {  	_ =	strace $0x8FFFFFFF  }
0x9e: {  	s19 =	sld [smem:$0x3FDB];
	_ =	sdelay $0x1  }
0x9f: {  	s5 =	simm.s32 $_scs_section_size  }
0xa0: {  	s6 =	simm.s32 $_size__tile_overlayer_lowered;
	s7 =	simm.s32 $_tile_overlayer_lowered  }
0xa1: {  	s22 =	simm.s32 $0x1BFF;
	s21 =	sshll.u32 s7, $0x1;
	s4 =	sadd.s32 s5, s19  }
0xa2: {  	s8 =	simm.s32 $0x0;
	s20 =	sshll.u32 s6, $0x1;
	s6 =	sadd.s32 s21, s4  }
0xa3: {  	[timem:s8], [sflag:s22] =	dma.local [hbm:s6], s20  }
0xa4: {  	_ =	swait.ge [sflag:s22], s20  }
0xa5: {  	s5 =	ssub.s32 $0x0, s20;
	[sflag:s22] =	ssyncset.done $0x0  }
0xa6: {  	[sflag:s22] =	ssyncadd.s32 s5;
	_ =	sdelay $0x1  }
0xa7: {  	s23 =	simm.s32 $0x1B8B  }
0xa8: {  	_ =	swait.ge [sflag:s23], $0x1  }
0xa9: {  	[sflag:s23] =	ssyncset.done $0x0  }
0xaa: {  	s25 =	simm.s32 $0x1B8E;
	s24 =	sld [smem:$0x3FFE];
	[sflag:s23] =	ssyncadd.s32 $0xFFFFFFFF  }
0xab: {  	s26 =	simm.s32 $execute0_lowered;
	[smem:$0x3FD2] =	sst s25  }
0xac: {  	s6 =	sshll.u32 s26, $0x1;
	_ =	strace $0x80000046;
	[dreg:$0x1] =	wrdreg $0xFFFFFFFF  }
0xad: {  	s28 =	simm.s32 $_size_execute0_lowered;
	s4 =	sadd.s32 s4, s6;
	[dreg:$0x0] =	wrdreg $0x0  }
0xae: {  	s6 =	sshll.u32 s28, $0x1;
	[dreg:$0x2] =	wrdreg s4  }
0xaf: {  	[dreg:$0x3] =	wrdreg s6  }
0xb0: {  	[dreg:$0x4] =	wrdreg $0xC0  }
0xb1: {  	_ =	task [dreg:s8], $0x5FFFF  }
0xb2: {  	[dreg:$0x1] =	wrdreg $0xFFFFFFFF  }
0xb3: {  	[dreg:$0x0] =	wrdreg $0x60  }
0xb4: {  	[dreg:$0x2] =	wrdreg s24  }
0xb5: {  	[dreg:$0x3] =	wrdreg s16  }
0xb6: {  	[dreg:$0x4] =	wrdreg s17  }
0xb7: {  	[dreg:$0x5] =	wrdreg $0x9  }
0xb8: {  	_ =	task.clear_ibuf [dreg:s8], $0x6FFFF;
	_ =	strace $0x90000046  }
0xb9: {  	s29 =	simm.s32 $0x9;
	_ =	strace $0x80000048  }
0xba: {  	_ =	swait.ge [sflag:s29], $0x1  }
0xbb: {  	[sflag:s29] =	ssyncadd.s32 $0xFFFFFFFF  }
0xbc: {  	_ =	strace $0x90000048  }
0xbd: {  	_ =	sfence  }
0xbe: {  	s30 =	sld [smem:$0x0];
	_ =	sdelay $0x2  }
0xbf: {  	s31 =	sshll.u32 s1, $0xD;
	s1 =	sshrl.u32 s1, $0x2  }
0xc0: {  	s3 =	sand.u32 $0x4000, s31;
	s1 =	sadd.s32 s1, s30  }
0xc1: {  	s0 =	sor.u32 s3, s0;
	s1 =	sshll.u32 s1, $0x11  }
0xc2: {  	s0 =	sor.u32 s1, s0  }
0xc3: {  	s0 =	sadd.s32 $0x8F2B, s0  }
0xc4: {  	[sflag:s0] =	ssyncadd.remote.s32 $0x1  }
0xc5: {  	_ =	sfence.sel $0xFFFF  }
0xc6: {  	[dreg:$0x0] =	wrdreg $0xFFFFFFFF;
	(pc) =	sbr.abs _section_cstart, $3  }
0xc7: {  	[dreg:$0x1] =	wrdreg $0xFFFFFFFF  }
0xc8: {  	_ =	task.clear_ibuf [dreg:s8], $0x2FFFF;
	_ =	strace $0x9FFFFFFF  }
0xc9: {  	(tm) =	ssettm $0x7FFFFFFF  }
tec
execute0_lowered:
.L_overlay_start_1:
0x0: {  	(tag) =	ssettag $0x1  }
0x1: {  	s0 =	rddreg [dreg:$0x0]  }
0x2: {  	s1 =	rddreg [dreg:$0x1]  }
0x3: {  	s13 =	rddreg [dreg:$0x2];
	s2 =	srdreg.scid  }
0x4: {  	s7 =	stileid.u32;
	s15 =	simm.s32 $0x2;
	s16 =	simm.s32 $0x1000  }
0x5: {  	s17 =	simm.s32 $0x1800;
	s19 =	simm.s32 $0x21A0;
	s20 =	simm.s32 $0x80  }
0x6: {  	s21 =	simm.s32 $0x2340;
	s22 =	simm.s32 $0x23C0;
	s23 =	simm.s32 $0x1  }
0x7: {  	s24 =	simm.s32 $0x20;
	s25 =	simm.s32 $0x340;
	s26 =	simm.s32 $0x0  }
0x8: {  	s8 =	sand.u32 $0x1, s2;
	s2 =	simm.s32 $0x0;
	s3 =	sshll.u32 s7, $0x8  }
0x9: {  	s6 =	sadd.s32 $0x18D1000, s0;
	s12 =	smul.u32 $0x34000, s7;
	s7 =	sadd.s32 $0x18D1400, s0  }
0xa: {  	v3 =	vlaneseq.u32;
	s4 =	sshll.u32 s8, $0x7;
	[smem:$0x7FF] =	sst s2;
	s11 =	ssub.s32 $0x2, s8  }
0xb: {  	v0 =	vmul.u32 $0x20, v3;
	s14 =	smul.u32 $0x1A000, s8;
	s9 =	sor.u32 s4, s3;
	_ =	strace $0x80000047  }
0xc: {  	s3 =	sadd.s32 $0x27AD800, s0;
	s4 =	sadd.s32 $0x13D7600, s0;
	s28 =	sshrl.u32 s11, $0x1  }
0xd: {  	v3 =	vmul.u32 $0x10, v3;
	v1 =	vor.u32 $0x200, v0;
	v2 =	vor.u32 $0x400, v0;
	s5 =	sshll.u32 s9, $0x1;
	s29 =	sshll.u32 s9, $0x2;
	s30 =	smul.u32 $0x340, s9  }
0xe: {  	v4 =	vor.u32 $0x600, v0;
	v5 =	vor.u32 $0x800, v0;
	v6 =	vor.u32 $0xA00, v0;
	s31 =	sadd.s32 s14, s12;
	s10 =	sadd.s32 s5, s0;
	s5 =	sadd.s32 $0x18D1200, s0  }
0xf: {  	v7 =	vor.u32 $0xC00, v0;
	v8 =	vor.u32 $0xE00, v0;
	v9 =	vor.u32 $0x100, v3;
	s0 =	ssub.s32 s11, s28;
	s8 =	sadd.s32 s1, s29;
	s1 =	sshrl.u32 s31, $0x3  }
0x10: {  	v10 =	vor.u32 $0x200, v3;
	v11 =	vor.u32 $0x300, v3;
	v12 =	vor.u32 $0x400, v3;
	s9 =	sadd.s32 $0x18CF000, s10;
	s10 =	sadd.s32 $0x18CD000, s10;
	s11 =	sor.u32 $0x1A0, s30  }
0x11: {  	v13 =	vor.u32 $0x500, v3;
	v14 =	vor.u32 $0x600, v3;
	v15 =	vor.u32 $0x700, v3;
	s12 =	smax.u32 s0, $0x1;
	s13 =	sadd.s32 s1, s13;
	s14 =	sadd.s32 s1, s7  }
.LBB2_1:
0x12: {  	[tilespmem:s2], [sflag:$0x2] =	stream.linear.gather [hbm4b:s8+s2], $0x1000, $0x38;
	[tilespmem:$0x33C0] =	vst v63  }
0x13: {  	_ =	swait.ge [sflag:s15], $0x1000  }
0x14: {  	[sflag:s15] =	ssyncset.done $0x0  }
0x15: {  	[sflag:s15] =	ssyncadd.s32 $0xFFFFF000  }
0x16: {  	[tilespmem:s16], [sflag:$0x2] =	stream.linear.gather [hbm4b:s9+s2], $0x800, $0x38;
	[tilespmem:$0x33C0] =	vst v63  }
0x17: {  	_ =	swait.ge [sflag:s15], $0x800  }
0x18: {  	[sflag:s15] =	ssyncset.done $0x0  }
0x19: {  	[sflag:s15] =	ssyncadd.s32 $0xFFFFF800  }
0x1a: {  	[tilespmem:s17], [sflag:$0x2] =	stream.linear.gather [hbm4b:s10+s2], $0x800, $0x38;
	[tilespmem:$0x33C0] =	vst v63  }
0x1b: {  	_ =	swait.ge [sflag:s15], $0x800  }
0x1c: {  	[sflag:s15] =	ssyncset.done $0x0  }
0x1d: {  	v16 =	vmov s2;
	s0 =	simm.s32 $0x2000;
	[sflag:s15] =	ssyncadd.s32 $0xFFFFF800  }
0x1e: {  	v16 =	vand.u32 $0x1F, v16;
	[tilespmem:s0], [sflag:$0x2] =	stream.linear.gather [hbm4b:s5+s2], $0x1A0, $0x38;
	[tilespmem:$0x33C0] =	vst v63  }
0x1f: {  	v16 =	vbroadcast v16, $0x0;
	_ =	swait.ge [sflag:s15], $0x1A0  }
0x20: {  	[sflag:s15] =	ssyncset.done $0x0  }
0x21: {  	v17 =	vor.u32 v0, v16;
	[sflag:s15] =	ssyncadd.s32 $0xFFFFFE60  }
0x22: {  	[tilespmem:s19], [sflag:$0x2] =	stream.linear.gather [hbm4b:s6+s2], $0x1A0, $0x38;
	[tilespmem:$0x33C0] =	vst v63  }
0x23: {  	_ =	swait.ge [sflag:s15], $0x1A0  }
0x24: {  	[sflag:s15] =	ssyncset.done $0x0  }
0x25: {  	[sflag:s15] =	ssyncadd.s32 $0xFFFFFE60  }
0x26: {  	v17 =	vld.idx.msk [tilespmem:v17+s2+$0x0], $0xffff  }
0x27: {  	v18 =	vor.u32 v1, v16;
	_ =	sdelay $0x3  }
0x28: {  	[tilespmem:$0x2340] =	vst v17  }
0x29: {  	v17 =	vld.idx.msk [tilespmem:v18+s2+$0x0], $0xffff  }
0x2a: {  	v18 =	vor.u32 v2, v16;
	_ =	sdelay $0x3  }
0x2b: {  	[tilespmem:$0x2350] =	vst v17  }
0x2c: {  	v17 =	vld.idx.msk [tilespmem:v18+s2+$0x0], $0xffff  }
0x2d: {  	v18 =	vor.u32 v4, v16;
	_ =	sdelay $0x3  }
0x2e: {  	[tilespmem:$0x2360] =	vst v17  }
0x2f: {  	v17 =	vld.idx.msk [tilespmem:v18+s2+$0x0], $0xffff  }
0x30: {  	v18 =	vor.u32 v5, v16;
	_ =	sdelay $0x3  }
0x31: {  	[tilespmem:$0x2370] =	vst v17  }
0x32: {  	v17 =	vld.idx.msk [tilespmem:v18+s2+$0x0], $0xffff  }
0x33: {  	v18 =	vor.u32 v6, v16;
	_ =	sdelay $0x3  }
0x34: {  	[tilespmem:$0x2380] =	vst v17  }
0x35: {  	v17 =	vld.idx.msk [tilespmem:v18+s2+$0x0], $0xffff  }
0x36: {  	v18 =	vor.u32 v7, v16;
	_ =	sdelay $0x3  }
0x37: {  	[tilespmem:$0x2390] =	vst v17  }
0x38: {  	v17 =	vld.idx.msk [tilespmem:v18+s2+$0x0], $0xffff  }
0x39: {  	v16 =	vor.u32 v8, v16;
	_ =	sdelay $0x3  }
0x3a: {  	[tilespmem:$0x23A0] =	vst v17  }
0x3b: {  	v16 =	vld.idx.msk [tilespmem:v16+s2+$0x0], $0xffff;
	_ =	sdelay $0x4  }
0x3c: {  	s28 =	simm.s32 $0x1;
	[tilespmem:$0x23B0] =	vst v16  }
0x3d: {  	v16 =	vmov s28;
	[tilespmem:s22], [sflag:$0x1] =	stream.indirect.gather [hbm4b:s3+s20], $0x20, s21, s20, $0xb8;
	[tilespmem:$0x33C0] =	vst v63  }
0x3e: {  	v16 =	vand.u32 $0x1F, v16;
	_ =	swait.ge [sflag:s23], $0x1000  }
0x3f: {  	v16 =	vbroadcast v16, $0x0;
	[sflag:s23] =	ssyncset.done $0x0  }
0x40: {  	[sflag:s23] =	ssyncadd.s32 $0xFFFFF000  }
0x41: {  	v17 =	vor.u32 v0, v16;
	[hbm4b:s13+s24] =	stream.strided.scatter [tilespmem:s22], [sflag:$0x2], $0x1000, s25, s24, $0x38;
	[tilespmem:$0x33C0] =	vst v63  }
0x42: {  	s29 =	sadd.s32 $0x4, s13;
	s30 =	sadd.s32 $0x61A80, s3;
	_ =	swait.ge [sflag:s15], $0x1000  }
0x43: {  	s31 =	simm.s32 $0x0;
	s0 =	simm.s32 $0x2;
	[sflag:s15] =	ssyncset.done $0x0  }
.LBB2_2:
0x44: {  	s28 =	simm.s32 $0x0  }
0x45: {  	[sflag:s15] =	ssyncadd.s32 $0xFFFFF000;
	s1 =	smov.u32 s0;
	s18 =	sadd.s32 $0x1, s0  }
0x46: {  	p0 =	sne.s32 s0, $0x19;
	v17 =	vld.idx.msk [tilespmem:v17+s31+$0x0], $0xffff;
	_ =	sdelay $0x1  }
0x47: {  	v18 =	vor.u32 v1, v16;
	_ =	sdelay $0x3  }
0x48: {  	[tilespmem:$0x2340] =	vst v17  }
0x49: {  	v17 =	vld.idx.msk [tilespmem:v18+s31+$0x0], $0xffff;
	_ =	sdelay $0x1  }
0x4a: {  	v18 =	vor.u32 v2, v16;
	_ =	sdelay $0x3  }
0x4b: {  	[tilespmem:$0x2350] =	vst v17  }
0x4c: {  	v17 =	vld.idx.msk [tilespmem:v18+s31+$0x0], $0xffff;
	_ =	sdelay $0x1  }
0x4d: {  	v18 =	vor.u32 v4, v16;
	_ =	sdelay $0x3  }
0x4e: {  	[tilespmem:$0x2360] =	vst v17  }
0x4f: {  	v17 =	vld.idx.msk [tilespmem:v18+s31+$0x0], $0xffff;
	_ =	sdelay $0x1  }
0x50: {  	v18 =	vor.u32 v5, v16;
	_ =	sdelay $0x3  }
0x51: {  	[tilespmem:$0x2370] =	vst v17  }
0x52: {  	v17 =	vld.idx.msk [tilespmem:v18+s31+$0x0], $0xffff;
	_ =	sdelay $0x1  }
0x53: {  	v18 =	vor.u32 v6, v16;
	_ =	sdelay $0x3  }
0x54: {  	[tilespmem:$0x2380] =	vst v17  }
0x55: {  	v17 =	vld.idx.msk [tilespmem:v18+s31+$0x0], $0xffff;
	_ =	sdelay $0x1  }
0x56: {  	v18 =	vor.u32 v7, v16;
	_ =	sdelay $0x3  }
0x57: {  	[tilespmem:$0x2390] =	vst v17  }
0x58: {  	v17 =	vld.idx.msk [tilespmem:v18+s31+$0x0], $0xffff;
	_ =	sdelay $0x1  }
0x59: {  	v16 =	vor.u32 v8, v16;
	_ =	sdelay $0x3  }
0x5a: {  	[tilespmem:$0x23A0] =	vst v17  }
0x5b: {  	v16 =	vld.idx.msk [tilespmem:v16+s31+$0x0], $0xffff;
	s31 =	smov.u32 s28;
	_ =	sdelay $0x5  }
0x5c: {  	v17 =	vmov s1;
	[tilespmem:$0x23B0] =	vst v16  }
0x5d: {  	v16 =	vand.u32 $0x1F, v17;
	[tilespmem:s22], [sflag:$0x1] =	stream.indirect.gather [hbm4b:s30+s20], $0x20, s21, s20, $0xb8;
	[tilespmem:$0x33C0] =	vst v63  }
0x5e: {  	v16 =	vbroadcast v16, $0x0;
	_ =	swait.ge [sflag:s23], $0x1000  }
.Ltmp0:
0x5f: {  	[sflag:s23] =	ssyncset.done $0x0;
	(pc) =	sbr.rel @p0 .LBB2_2-.Ltmp0, $4  }
0x60: {  	v17 =	vor.u32 v0, v16;
	[sflag:s23] =	ssyncadd.s32 $0xFFFFF000  }
0x61: {  	[hbm4b:s29+s24] =	stream.strided.scatter [tilespmem:s22], [sflag:$0x2], $0x1000, s25, s24, $0x38;
	[tilespmem:$0x33C0] =	vst v63  }
0x62: {  	s0 =	smov.u32 s18;
	_ =	swait.ge [sflag:s15], $0x1000  }
0x63: {  	s30 =	sadd.s32 $0x61A80, s30;
	s29 =	sadd.s32 $0x4, s29;
	[sflag:s15] =	ssyncset.done $0x0  }
0x64: {  	_ =	sdelay $0x2  }
0x65: {  	[sflag:s15] =	ssyncadd.s32 $0xFFFFF000  }
0x66: {  	v17 =	vld.idx.msk [tilespmem:v17+s31+$0x0], $0xffff  }
0x67: {  	v18 =	vor.u32 v1, v16;
	_ =	sdelay $0x3  }
0x68: {  	[tilespmem:$0x2340] =	vst v17  }
0x69: {  	v17 =	vld.idx.msk [tilespmem:v18+s31+$0x0], $0xffff  }
0x6a: {  	v18 =	vor.u32 v2, v16;
	_ =	sdelay $0x3  }
0x6b: {  	[tilespmem:$0x2350] =	vst v17  }
0x6c: {  	v17 =	vld.idx.msk [tilespmem:v18+s31+$0x0], $0xffff  }
0x6d: {  	v18 =	vor.u32 v4, v16;
	_ =	sdelay $0x3  }
0x6e: {  	[tilespmem:$0x2360] =	vst v17  }
0x6f: {  	v17 =	vld.idx.msk [tilespmem:v18+s31+$0x0], $0xffff  }
0x70: {  	v18 =	vor.u32 v5, v16;
	_ =	sdelay $0x3  }
0x71: {  	[tilespmem:$0x2370] =	vst v17  }
0x72: {  	v17 =	vld.idx.msk [tilespmem:v18+s31+$0x0], $0xffff  }
0x73: {  	v18 =	vor.u32 v6, v16;
	_ =	sdelay $0x3  }
0x74: {  	[tilespmem:$0x2380] =	vst v17  }
0x75: {  	v17 =	vld.idx.msk [tilespmem:v18+s31+$0x0], $0xffff  }
0x76: {  	v18 =	vor.u32 v7, v16;
	_ =	sdelay $0x3  }
0x77: {  	[tilespmem:$0x2390] =	vst v17  }
0x78: {  	v17 =	vld.idx.msk [tilespmem:v18+s31+$0x0], $0xffff  }
0x79: {  	v16 =	vor.u32 v8, v16;
	_ =	sdelay $0x3  }
0x7a: {  	[tilespmem:$0x23A0] =	vst v17  }
0x7b: {  	v16 =	vld.idx.msk [tilespmem:v16+s31+$0x0], $0xffff;
	_ =	sdelay $0x4  }
0x7c: {  	[tilespmem:$0x23B0] =	vst v16;
	v16 =	vmov s28  }
0x7d: {  	[tilespmem:s22], [sflag:$0x1] =	stream.indirect.gather [hbm4b:s30+s20], $0x20, s21, s20, $0xb8;
	v16 =	vand.u32 $0xF, v16;
	[tilespmem:$0x33C0] =	vst v63  }
0x7e: {  	_ =	swait.ge [sflag:s23], $0x1000;
	v16 =	vbroadcast v16, $0x0  }
0x7f: {  	[sflag:s23] =	ssyncset.done $0x0  }
0x80: {  	[sflag:s23] =	ssyncadd.s32 $0xFFFFF000;
	v17 =	vor.u32 v3, v16  }
0x81: {  	[hbm4b:s29+s24] =	stream.strided.scatter [tilespmem:s22], [sflag:$0x2], $0x1000, s25, s24, $0x38;
	[tilespmem:$0x33C0] =	vst v63  }
0x82: {  	_ =	swait.ge [sflag:s15], $0x1000  }
0x83: {  	[sflag:s15] =	ssyncset.done $0x0  }
0x84: {  	[sflag:s15] =	ssyncadd.s32 $0xFFFFF000  }
0x85: {  	v17 =	vld.idx.msk [tilespmem:v17+s16+$0x0], $0xffff  }
0x86: {  	v18 =	vor.u32 v9, v16;
	_ =	sdelay $0x3  }
0x87: {  	[tilespmem:$0x2340] =	vst v17  }
0x88: {  	v17 =	vld.idx.msk [tilespmem:v18+s16+$0x0], $0xffff  }
0x89: {  	v18 =	vor.u32 v10, v16;
	_ =	sdelay $0x3  }
0x8a: {  	[tilespmem:$0x2350] =	vst v17  }
0x8b: {  	v17 =	vld.idx.msk [tilespmem:v18+s16+$0x0], $0xffff  }
0x8c: {  	v18 =	vor.u32 v11, v16;
	_ =	sdelay $0x3  }
0x8d: {  	[tilespmem:$0x2360] =	vst v17  }
0x8e: {  	v17 =	vld.idx.msk [tilespmem:v18+s16+$0x0], $0xffff  }
0x8f: {  	v18 =	vor.u32 v12, v16;
	_ =	sdelay $0x3  }
0x90: {  	[tilespmem:$0x2370] =	vst v17  }
0x91: {  	v17 =	vld.idx.msk [tilespmem:v18+s16+$0x0], $0xffff  }
0x92: {  	v18 =	vor.u32 v13, v16;
	_ =	sdelay $0x3  }
0x93: {  	[tilespmem:$0x2380] =	vst v17  }
0x94: {  	v17 =	vld.idx.msk [tilespmem:v18+s16+$0x0], $0xffff  }
0x95: {  	v18 =	vor.u32 v14, v16;
	_ =	sdelay $0x3  }
0x96: {  	[tilespmem:$0x2390] =	vst v17  }
0x97: {  	v17 =	vld.idx.msk [tilespmem:v18+s16+$0x0], $0xffff  }
0x98: {  	v16 =	vor.u32 v15, v16;
	_ =	sdelay $0x3  }
0x99: {  	[tilespmem:$0x23A0] =	vst v17  }
0x9a: {  	v16 =	vld.idx.msk [tilespmem:v16+s16+$0x0], $0xffff;
	_ =	sdelay $0x4  }
0x9b: {  	s0 =	simm.s32 $0x1;
	[tilespmem:$0x23B0] =	vst v16  }
0x9c: {  	v16 =	vmov s0;
	[tilespmem:s22], [sflag:$0x1] =	stream.indirect.gather [hbm4b:s4+s20], $0x20, s21, s20, $0xb8;
	[tilespmem:$0x33C0] =	vst v63  }
0x9d: {  	v16 =	vand.u32 $0xF, v16;
	_ =	swait.ge [sflag:s23], $0x1000  }
0x9e: {  	v16 =	vbroadcast v16, $0x0;
	[sflag:s23] =	ssyncset.done $0x0  }
0x9f: {  	[sflag:s23] =	ssyncadd.s32 $0xFFFFF000  }
0xa0: {  	v17 =	vor.u32 v3, v16;
	[hbm4b:s14+s24] =	stream.strided.scatter [tilespmem:s22], [sflag:$0x2], $0x1000, s25, s24, $0x38;
	[tilespmem:$0x33C0] =	vst v63  }
0xa1: {  	s18 =	simm.s32 $0x2;
	_ =	swait.ge [sflag:s15], $0x1000  }
0xa2: {  	s30 =	sadd.s32 $0x61A80, s4;
	s29 =	smov.u32 s14;
	[sflag:s15] =	ssyncset.done $0x0  }
.LBB2_4:
0xa3: {  	[sflag:s15] =	ssyncadd.s32 $0xFFFFF000  }
0xa4: {  	s29 =	sadd.s32 $0x4, s29;
	s1 =	smov.u32 s18;
	s0 =	sadd.s32 $0x1, s18  }
0xa5: {  	p0 =	sne.s32 s18, $0xC;
	v17 =	vld.idx.msk [tilespmem:v17+s16+$0x0], $0xffff;
	_ =	sdelay $0x1  }
0xa6: {  	v18 =	vor.u32 v9, v16;
	_ =	sdelay $0x3  }
0xa7: {  	[tilespmem:$0x2340] =	vst v17  }
0xa8: {  	v17 =	vld.idx.msk [tilespmem:v18+s16+$0x0], $0xffff;
	_ =	sdelay $0x1  }
0xa9: {  	v18 =	vor.u32 v10, v16;
	_ =	sdelay $0x3  }
0xaa: {  	[tilespmem:$0x2350] =	vst v17  }
0xab: {  	v17 =	vld.idx.msk [tilespmem:v18+s16+$0x0], $0xffff;
	_ =	sdelay $0x1  }
0xac: {  	v18 =	vor.u32 v11, v16;
	_ =	sdelay $0x3  }
0xad: {  	[tilespmem:$0x2360] =	vst v17  }
0xae: {  	v17 =	vld.idx.msk [tilespmem:v18+s16+$0x0], $0xffff;
	_ =	sdelay $0x1  }
0xaf: {  	v18 =	vor.u32 v12, v16;
	_ =	sdelay $0x3  }
0xb0: {  	[tilespmem:$0x2370] =	vst v17  }
0xb1: {  	v17 =	vld.idx.msk [tilespmem:v18+s16+$0x0], $0xffff;
	_ =	sdelay $0x1  }
0xb2: {  	v18 =	vor.u32 v13, v16;
	_ =	sdelay $0x3  }
0xb3: {  	[tilespmem:$0x2380] =	vst v17  }
0xb4: {  	v17 =	vld.idx.msk [tilespmem:v18+s16+$0x0], $0xffff;
	_ =	sdelay $0x1  }
0xb5: {  	v18 =	vor.u32 v14, v16;
	_ =	sdelay $0x3  }
0xb6: {  	[tilespmem:$0x2390] =	vst v17  }
0xb7: {  	v17 =	vld.idx.msk [tilespmem:v18+s16+$0x0], $0xffff;
	_ =	sdelay $0x1  }
0xb8: {  	v16 =	vor.u32 v15, v16;
	_ =	sdelay $0x3  }
0xb9: {  	[tilespmem:$0x23A0] =	vst v17  }
0xba: {  	v16 =	vld.idx.msk [tilespmem:v16+s16+$0x0], $0xffff;
	_ =	sdelay $0x5  }
0xbb: {  	v17 =	vmov s1;
	[tilespmem:$0x23B0] =	vst v16  }
0xbc: {  	v16 =	vand.u32 $0xF, v17;
	[tilespmem:s22], [sflag:$0x1] =	stream.indirect.gather [hbm4b:s30+s20], $0x20, s21, s20, $0xb8;
	[tilespmem:$0x33C0] =	vst v63  }
0xbd: {  	v16 =	vbroadcast v16, $0x0;
	_ =	swait.ge [sflag:s23], $0x1000  }
.Ltmp1:
0xbe: {  	[sflag:s23] =	ssyncset.done $0x0;
	(pc) =	sbr.rel @p0 .LBB2_4-.Ltmp1, $4  }
0xbf: {  	v17 =	vor.u32 v3, v16;
	[sflag:s23] =	ssyncadd.s32 $0xFFFFF000  }
0xc0: {  	[hbm4b:s29+s24] =	stream.strided.scatter [tilespmem:s22], [sflag:$0x2], $0x1000, s25, s24, $0x38;
	[tilespmem:$0x33C0] =	vst v63  }
0xc1: {  	_ =	swait.ge [sflag:s15], $0x1000  }
0xc2: {  	s18 =	smov.u32 s0;
	s30 =	sadd.s32 $0x61A80, s30;
	[sflag:s15] =	ssyncset.done $0x0  }
0xc3: {  	_ =	sdelay $0x2  }
0xc4: {  	[sflag:s15] =	ssyncadd.s32 $0xFFFFF000  }
0xc5: {  	v17 =	vld.idx.msk [tilespmem:v17+s16+$0x0], $0xffff  }
0xc6: {  	v18 =	vor.u32 v9, v16;
	_ =	sdelay $0x3  }
0xc7: {  	[tilespmem:$0x2340] =	vst v17  }
0xc8: {  	v17 =	vld.idx.msk [tilespmem:v18+s16+$0x0], $0xffff  }
0xc9: {  	v59 =	vor.u32 v10, v16;
	_ =	sdelay $0x3  }
0xca: {  	[tilespmem:$0x2350] =	vst v17  }
0xcb: {  	v17 =	vld.idx.msk [tilespmem:v59+s16+$0x0], $0xffff  }
0xcc: {  	v60 =	vor.u32 v11, v16;
	_ =	sdelay $0x3  }
0xcd: {  	[tilespmem:$0x2360] =	vst v17  }
0xce: {  	v17 =	vld.idx.msk [tilespmem:v60+s16+$0x0], $0xffff  }
0xcf: {  	v61 =	vor.u32 v12, v16;
	_ =	sdelay $0x3  }
0xd0: {  	[tilespmem:$0x2370] =	vst v17  }
0xd1: {  	v17 =	vld.idx.msk [tilespmem:v61+s16+$0x0], $0xffff  }
0xd2: {  	v62 =	vor.u32 v13, v16;
	_ =	sdelay $0x3  }
0xd3: {  	[tilespmem:$0x2380] =	vst v17  }
0xd4: {  	v17 =	vld.idx.msk [tilespmem:v62+s16+$0x0], $0xffff  }
0xd5: {  	v63 =	vor.u32 v14, v16;
	_ =	sdelay $0x3  }
0xd6: {  	[tilespmem:$0x2390] =	vst v17  }
0xd7: {  	v17 =	vld.idx.msk [tilespmem:v63+s16+$0x0], $0xffff  }
0xd8: {  	v16 =	vor.u32 v15, v16;
	_ =	sdelay $0x3  }
0xd9: {  	[tilespmem:$0x23A0] =	vst v17  }
0xda: {  	v16 =	vld.idx.msk [tilespmem:v16+s16+$0x0], $0xffff;
	_ =	sdelay $0x4  }
0xdb: {  	[tilespmem:$0x23B0] =	vst v16  }
0xdc: {  	[tilespmem:s22], [sflag:$0x1] =	stream.indirect.gather [hbm4b:s30+s20], $0x20, s21, s20, $0xb8;
	[tilespmem:$0x33C0] =	vst v63  }
0xdd: {  	_ =	swait.ge [sflag:s23], $0x1000  }
0xde: {  	[sflag:s23] =	ssyncset.done $0x0  }
0xdf: {  	s0 =	sadd.s32 $0x4, s29;
	[sflag:s23] =	ssyncadd.s32 $0xFFFFF000  }
0xe0: {  	[hbm4b:s0+s24] =	stream.strided.scatter [tilespmem:s22], [sflag:$0x2], $0x1000, s25, s24, $0x38;
	[tilespmem:$0x33C0] =	vst v63  }
0xe1: {  	_ =	swait.ge [sflag:s15], $0x1000  }
0xe2: {  	[sflag:s15] =	ssyncset.done $0x0  }
0xe3: {  	[sflag:s15] =	ssyncadd.s32 $0xFFFFF000  }
.LBB2_6:
0xe4: {  	v16 =	vmov s28;
	s0 =	simm.s32 $0x0  }
0xe5: {  	v16 =	vand.u32 $0xF, v16;
	v17 =	vmov s0  }
0xe6: {  	v20 =	vbroadcast v16, $0x0;
	v16 =	vshll.u32 v17, $0x4  }
0xe7: {  	v16 =	vor.u32 v3, v16  }
0xe8: {  	v16 =	vor.u32 v20, v16;
	_ =	sdelay $0x4  }
0xe9: {  	v22 =	vld.idx.msk [tilespmem:v16+s17+$0x0], $0xffff  }
0xea: {  	s29 =	sshll.u32 s28, $0x5  }
0xeb: {  	v19 =	vld [tilespmem:s29+$0x2000]  }
0xec: {  	v18 =	vld [tilespmem:s29+$0x2010]  }
0xed: {  	v17 =	vld [tilespmem:s29+$0x21A0]  }
0xee: {  	v16 =	vld [tilespmem:s29+$0x21B0];
	v21 =	vbroadcast v22, $0x0;
	_ =	sdelay $0x1  }
0xef: {  	v23 =	vbroadcast v22, $0x1;
	v24 =	vmul.f32 v21, v19  }
0xf0: {  	v21 =	vmul.f32 v21, v18  }
0xf1: {  	v25 =	vbroadcast v22, $0x2;
	v26 =	vmul.f32 v23, v19;
	v24 =	vadd.f32 v24, v17  }
0xf2: {  	s30 =	simm.s32 $0x24C0;
	v23 =	vmul.f32 v23, v18;
	v21 =	vadd.f32 v21, v16  }
0xf3: {  	v27 =	vbroadcast v22, $0x3;
	v28 =	vmul.f32 v25, v19;
	v26 =	vadd.f32 v26, v17;
	[tilespmem:s30+$0xFFFFFF00] =	vst v24  }
0xf4: {  	v23 =	vadd.f32 v23, v16;
	v24 =	vmul.f32 v25, v18;
	[tilespmem:s30+$0xFFFFFF10] =	vst v21  }
0xf5: {  	v21 =	vadd.f32 v28, v17;
	v25 =	vmul.f32 v27, v19;
	v28 =	vbroadcast v22, $0x4;
	[tilespmem:s30+$0xFFFFFF20] =	vst v26  }
0xf6: {  	v26 =	vmul.f32 v27, v18;
	[tilespmem:s30+$0xFFFFFF30] =	vst v23;
	v24 =	vadd.f32 v24, v16  }
0xf7: {  	v23 =	vbroadcast v22, $0x5;
	v25 =	vadd.f32 v25, v17;
	v27 =	vmul.f32 v28, v19;
	[tilespmem:s30+$0xFFFFFF40] =	vst v21  }
0xf8: {  	v21 =	vadd.f32 v26, v16;
	v26 =	vmul.f32 v28, v18;
	[tilespmem:s30+$0xFFFFFF50] =	vst v24  }
0xf9: {  	v28 =	vmul.f32 v23, v19;
	v24 =	vbroadcast v22, $0x6;
	v27 =	vadd.f32 v27, v17;
	[tilespmem:s30+$0xFFFFFF60] =	vst v25  }
0xfa: {  	v23 =	vmul.f32 v23, v18;
	v25 =	vadd.f32 v26, v16;
	[tilespmem:s30+$0xFFFFFF70] =	vst v21  }
0xfb: {  	v26 =	vadd.f32 v28, v17;
	v28 =	vbroadcast v22, $0x7;
	v21 =	vmul.f32 v24, v19;
	[tilespmem:s30+$0xFFFFFF80] =	vst v27  }
0xfc: {  	v30 =	vbroadcast v22, $0xD;
	v23 =	vadd.f32 v23, v16;
	v24 =	vmul.f32 v24, v18;
	[tilespmem:s30+$0xFFFFFF90] =	vst v25  }
0xfd: {  	v25 =	vbroadcast v22, $0x8;
	v27 =	vmul.f32 v28, v19;
	[tilespmem:s30+$0xFFFFFFA0] =	vst v26;
	v21 =	vadd.f32 v21, v17  }
0xfe: {  	v26 =	vbroadcast v22, $0x9;
	v28 =	vmul.f32 v28, v18;
	[tilespmem:s30+$0xFFFFFFB0] =	vst v23;
	v24 =	vadd.f32 v24, v16  }
0xff: {  	v23 =	vmul.f32 v25, v19;
	v25 =	vmul.f32 v25, v18;
	v27 =	vadd.f32 v27, v17;
	[tilespmem:s30+$0xFFFFFFC0] =	vst v21  }
0x100: {  	v28 =	vadd.f32 v28, v16;
	v29 =	vmul.f32 v26, v19;
	v21 =	vbroadcast v22, $0xA;
	[tilespmem:s30+$0xFFFFFFD0] =	vst v24  }
0x101: {  	v23 =	vadd.f32 v23, v17;
	v24 =	vadd.f32 v25, v16;
	v25 =	vmul.f32 v26, v18;
	[tilespmem:s30+$0xFFFFFFE0] =	vst v27  }
0x102: {  	v26 =	vadd.f32 v29, v17;
	v29 =	vbroadcast v22, $0xB;
	[tilespmem:s30+$0xFFFFFFF0] =	vst v28;
	v27 =	vmul.f32 v21, v19  }
0x103: {  	v28 =	vbroadcast v22, $0xC;
	v21 =	vmul.f32 v21, v18;
	[tilespmem:s30+$0x0] =	vst v23  }
0x104: {  	v25 =	vadd.f32 v25, v16;
	[tilespmem:s30+$0x10] =	vst v24;
	v23 =	vadd.f32 v27, v17;
	v27 =	vmul.f32 v29, v19  }
0x105: {  	[tilespmem:s30+$0x20] =	vst v26;
	v29 =	vmul.f32 v29, v18;
	v24 =	vadd.f32 v21, v16;
	v21 =	vmul.f32 v28, v19  }
0x106: {  	v26 =	vmul.f32 v28, v18;
	[tilespmem:s30+$0x30] =	vst v25;
	v25 =	vmul.f32 v30, v19;
	v27 =	vadd.f32 v27, v17  }
0x107: {  	v28 =	vadd.f32 v29, v16;
	v29 =	vadd.f32 v21, v17;
	[tilespmem:s30+$0x40] =	vst v23;
	v23 =	vbroadcast v22, $0xE  }
0x108: {  	v21 =	vadd.f32 v26, v16;
	v26 =	vmul.f32 v30, v18;
	v30 =	vbroadcast v22, $0xF;
	[tilespmem:s30+$0x50] =	vst v24  }
0x109: {  	v22 =	vadd.f32 v25, v17;
	[tilespmem:s30+$0x60] =	vst v27;
	v25 =	vmul.f32 v23, v19;
	v31 =	vmul.f32 v23, v18  }
0x10a: {  	s18 =	simm.s32 $0x10;
	v23 =	vadd.f32 v26, v16;
	[tilespmem:s30+$0x70] =	vst v28;
	v26 =	vmul.f32 v30, v19;
	v24 =	vmul.f32 v30, v18  }
0x10b: {  	s31 =	simm.s32 $0x20;
	v28 =	vmov s18;
	[tilespmem:s30+$0x80] =	vst v29;
	v27 =	vadd.f32 v25, v17;
	v25 =	vadd.f32 v31, v16  }
.LBB2_7:
0x10c: {  	p0 =	sne.s32 s31, $0x70;
	v28 =	vshll.u32 v28, $0x4;
	[tilespmem:s30+$0x90] =	vst v21;
	v21 =	vadd.f32 v26, v17;
	v24 =	vadd.f32 v24, v16  }
0x10d: {  	v26 =	vor.u32 v3, v28;
	[tilespmem:s30+$0xA0] =	vst v22  }
0x10e: {  	v22 =	vor.u32 v20, v26;
	[tilespmem:s30+$0xB0] =	vst v23  }
0x10f: {  	[tilespmem:s30+$0xC0] =	vst v27  }
0x110: {  	[tilespmem:s30+$0xD0] =	vst v25  }
0x111: {  	[tilespmem:s30+$0xE0] =	vst v21  }
0x112: {  	[tilespmem:s30+$0xF0] =	vst v24  }
0x113: {  	v23 =	vld.idx.msk [tilespmem:v22+s17+$0x0], $0xffff;
	_ =	sdelay $0x5  }
0x114: {  	v21 =	vbroadcast v23, $0x0;
	v22 =	vbroadcast v23, $0x1  }
0x115: {  	v24 =	vbroadcast v23, $0x2;
	v25 =	vbroadcast v23, $0x3  }
0x116: {  	v26 =	vmul.f32 v21, v19;
	v21 =	vmul.f32 v21, v18  }
0x117: {  	v27 =	vmul.f32 v22, v19;
	v22 =	vmul.f32 v22, v18  }
0x118: {  	v28 =	vmul.f32 v24, v19;
	v26 =	vadd.f32 v26, v17;
	v21 =	vadd.f32 v21, v16  }
0x119: {  	s30 =	sadd.s32 $0x200, s30;
	v24 =	vmul.f32 v24, v18;
	v27 =	vadd.f32 v27, v17;
	v22 =	vadd.f32 v22, v16  }
0x11a: {  	[tilespmem:s30+$0xFFFFFF00] =	vst v26;
	v26 =	vadd.f32 v28, v17;
	v28 =	vmul.f32 v25, v19;
	v25 =	vmul.f32 v25, v18  }
0x11b: {  	v29 =	vbroadcast v23, $0x5;
	[tilespmem:s30+$0xFFFFFF10] =	vst v21;
	v21 =	vadd.f32 v24, v16;
	v24 =	vbroadcast v23, $0x4  }
0x11c: {  	[tilespmem:s30+$0xFFFFFF20] =	vst v27;
	v27 =	vadd.f32 v28, v17;
	v25 =	vadd.f32 v25, v16;
	v28 =	vbroadcast v23, $0x6  }
0x11d: {  	[tilespmem:s30+$0xFFFFFF30] =	vst v22;
	v22 =	vmul.f32 v24, v19;
	v24 =	vmul.f32 v24, v18  }
0x11e: {  	[tilespmem:s30+$0xFFFFFF40] =	vst v26;
	v26 =	vmul.f32 v29, v19;
	v29 =	vmul.f32 v29, v18  }
0x11f: {  	[tilespmem:s30+$0xFFFFFF50] =	vst v21;
	v21 =	vadd.f32 v22, v17;
	v22 =	vadd.f32 v24, v16;
	v24 =	vmul.f32 v28, v19  }
0x120: {  	v28 =	vmul.f32 v28, v18;
	[tilespmem:s30+$0xFFFFFF60] =	vst v27;
	v26 =	vadd.f32 v26, v17;
	v27 =	vadd.f32 v29, v16  }
0x121: {  	v29 =	vbroadcast v23, $0x8;
	[tilespmem:s30+$0xFFFFFF70] =	vst v25;
	v24 =	vadd.f32 v24, v17;
	v25 =	vbroadcast v23, $0x7  }
0x122: {  	v30 =	vbroadcast v23, $0xA;
	[tilespmem:s30+$0xFFFFFF80] =	vst v21;
	v21 =	vadd.f32 v28, v16;
	v28 =	vbroadcast v23, $0x9  }
0x123: {  	[tilespmem:s30+$0xFFFFFF90] =	vst v22;
	v22 =	vmul.f32 v25, v19;
	v25 =	vmul.f32 v25, v18  }
0x124: {  	[tilespmem:s30+$0xFFFFFFA0] =	vst v26;
	v26 =	vmul.f32 v29, v19;
	v29 =	vmul.f32 v29, v18  }
0x125: {  	[tilespmem:s30+$0xFFFFFFB0] =	vst v27;
	v22 =	vadd.f32 v22, v17;
	v25 =	vadd.f32 v25, v16;
	v27 =	vmul.f32 v28, v19  }
0x126: {  	v28 =	vmul.f32 v28, v18;
	[tilespmem:s30+$0xFFFFFFC0] =	vst v24;
	v24 =	vadd.f32 v26, v17;
	v26 =	vadd.f32 v29, v16  }
0x127: {  	v29 =	vmul.f32 v30, v18;
	[tilespmem:s30+$0xFFFFFFD0] =	vst v21;
	v21 =	vadd.f32 v27, v17;
	v27 =	vmul.f32 v30, v19  }
0x128: {  	v30 =	vbroadcast v23, $0xC;
	[tilespmem:s30+$0xFFFFFFE0] =	vst v22;
	v22 =	vadd.f32 v28, v16;
	v28 =	vbroadcast v23, $0xB  }
0x129: {  	[tilespmem:s30+$0xFFFFFFF0] =	vst v25;
	v25 =	vadd.f32 v27, v17;
	v27 =	vadd.f32 v29, v16;
	v29 =	vbroadcast v23, $0xD  }
0x12a: {  	[tilespmem:s30+$0x0] =	vst v24;
	v24 =	vmul.f32 v28, v19;
	v28 =	vmul.f32 v28, v18  }
0x12b: {  	[tilespmem:s30+$0x10] =	vst v26;
	v26 =	vmul.f32 v30, v19;
	v30 =	vmul.f32 v30, v18  }
0x12c: {  	v31 =	vmul.f32 v29, v19;
	[tilespmem:s30+$0x20] =	vst v21;
	v24 =	vadd.f32 v24, v17;
	v28 =	vadd.f32 v28, v16  }
0x12d: {  	[tilespmem:s30+$0x30] =	vst v22;
	v32 =	vadd.f32 v26, v17;
	v21 =	vadd.f32 v30, v16;
	v26 =	vmul.f32 v29, v18  }
.Ltmp2:
0x12e: {  	v22 =	vadd.f32 v31, v17;
	v29 =	vbroadcast v23, $0xF;
	[tilespmem:s30+$0x40] =	vst v25;
	v25 =	vbroadcast v23, $0xE;
	(pc) =	sbr.rel @p0 .LBB2_7-.Ltmp2, $4  }
0x12f: {  	[tilespmem:s30+$0x50] =	vst v27;
	v23 =	vadd.f32 v26, v16  }
0x130: {  	[tilespmem:s30+$0x60] =	vst v24;
	v27 =	vmul.f32 v25, v19;
	v25 =	vmul.f32 v25, v18  }
0x131: {  	v26 =	vmul.f32 v29, v19;
	v24 =	vmul.f32 v29, v18;
	[tilespmem:s30+$0x70] =	vst v28  }
0x132: {  	v28 =	vmov s31;
	s31 =	sadd.s32 $0x10, s31;
	[tilespmem:s30+$0x80] =	vst v32;
	v27 =	vadd.f32 v27, v17;
	v25 =	vadd.f32 v25, v16  }
0x133: {  	v28 =	vshll.u32 v28, $0x4;
	[tilespmem:s30+$0x90] =	vst v21  }
0x134: {  	[tilespmem:s30+$0xA0] =	vst v22;
	v47 =	vor.u32 v3, v28  }
0x135: {  	[tilespmem:s30+$0xB0] =	vst v23;
	v20 =	vor.u32 v20, v47  }
0x136: {  	v48 =	vadd.f32 v26, v17;
	[tilespmem:s30+$0xC0] =	vst v27  }
0x137: {  	v49 =	vadd.f32 v24, v16;
	[tilespmem:s30+$0xD0] =	vst v25  }
0x138: {  	[tilespmem:s30+$0xE0] =	vst v48  }
0x139: {  	[tilespmem:s30+$0xF0] =	vst v49  }
0x13a: {  	v20 =	vld.idx.msk [tilespmem:v20+s17+$0x0], $0xffff;
	_ =	sdelay $0x4  }
0x13b: {  	v50 =	vbroadcast v20, $0x0;
	_ =	sdelay $0x1  }
0x13c: {  	v51 =	vbroadcast v20, $0x1;
	v52 =	vmul.f32 v50, v19  }
0x13d: {  	v21 =	vmul.f32 v50, v18  }
0x13e: {  	v53 =	vbroadcast v20, $0x2;
	v54 =	vmul.f32 v51, v19;
	v23 =	vadd.f32 v52, v17  }
0x13f: {  	s31 =	sadd.s32 $0x200, s30;
	v55 =	vbroadcast v20, $0x3;
	v22 =	vmul.f32 v51, v18;
	v21 =	vadd.f32 v21, v16  }
0x140: {  	v56 =	vmul.f32 v53, v19;
	v25 =	vadd.f32 v54, v17;
	[tilespmem:s31+$0xFFFFFF00] =	vst v23  }
0x141: {  	v60 =	vbroadcast v20, $0x4;
	v59 =	vmul.f32 v55, v19;
	v22 =	vadd.f32 v22, v16;
	[tilespmem:s31+$0xFFFFFF10] =	vst v21  }
0x142: {  	v61 =	vmul.f32 v55, v18;
	v58 =	vadd.f32 v56, v17;
	[tilespmem:s31+$0xFFFFFF20] =	vst v25  }
0x143: {  	v62 =	vbroadcast v20, $0x5;
	v63 =	vmul.f32 v60, v19;
	v24 =	vadd.f32 v59, v17;
	[tilespmem:s31+$0xFFFFFF30] =	vst v22  }
0x144: {  	v37 =	vbroadcast v20, $0x7;
	v31 =	vmul.f32 v60, v18;
	v30 =	vadd.f32 v61, v16;
	[tilespmem:s31+$0xFFFFFF40] =	vst v58  }
0x145: {  	v38 =	vbroadcast v20, $0x8;
	v33 =	vmul.f32 v62, v19;
	v26 =	vadd.f32 v63, v17;
	[tilespmem:s31+$0xFFFFFF60] =	vst v24  }
0x146: {  	v41 =	vbroadcast v20, $0x9;
	v40 =	vmul.f32 v37, v18;
	v34 =	vadd.f32 v31, v16;
	[tilespmem:s31+$0xFFFFFF70] =	vst v30  }
0x147: {  	v42 =	vmul.f32 v38, v19;
	v36 =	vadd.f32 v33, v17;
	[tilespmem:s31+$0xFFFFFF80] =	vst v26  }
0x148: {  	v32 =	vbroadcast v20, $0x6;
	v46 =	vmul.f32 v41, v19;
	v44 =	vadd.f32 v40, v16;
	[tilespmem:s31+$0xFFFFFF90] =	vst v34  }
0x149: {  	v57 =	vmul.f32 v53, v18;
	v27 =	vadd.f32 v42, v17;
	[tilespmem:s31+$0xFFFFFFA0] =	vst v36  }
0x14a: {  	v45 =	vbroadcast v20, $0xA;
	v35 =	vmul.f32 v32, v19;
	v47 =	vadd.f32 v46, v17;
	[tilespmem:s31+$0xFFFFFFF0] =	vst v44  }
0x14b: {  	v49 =	vbroadcast v20, $0xB;
	v39 =	vmul.f32 v37, v19;
	v23 =	vadd.f32 v57, v16;
	[tilespmem:s31+$0x0] =	vst v27  }
0x14c: {  	v48 =	vmul.f32 v45, v19;
	v21 =	vadd.f32 v35, v17;
	[tilespmem:s31+$0x20] =	vst v47  }
0x14d: {  	v50 =	vbroadcast v20, $0xC;
	v51 =	vmul.f32 v49, v19;
	v26 =	vadd.f32 v39, v17;
	[tilespmem:s31+$0xFFFFFF50] =	vst v23  }
0x14e: {  	v52 =	vmul.f32 v49, v18;
	v25 =	vadd.f32 v48, v17;
	[tilespmem:s31+$0xFFFFFFC0] =	vst v21  }
0x14f: {  	v54 =	vmul.f32 v50, v19;
	v27 =	vadd.f32 v51, v17;
	[tilespmem:s31+$0xFFFFFFE0] =	vst v26  }
0x150: {  	v22 =	vmul.f32 v62, v18;
	v24 =	vadd.f32 v52, v16;
	[tilespmem:s31+$0x40] =	vst v25  }
0x151: {  	v43 =	vmul.f32 v38, v18;
	v56 =	vadd.f32 v54, v17;
	v57 =	vbroadcast v20, $0xE;
	[tilespmem:s31+$0x60] =	vst v27  }
0x152: {  	v22 =	vadd.f32 v22, v16;
	v23 =	vmul.f32 v32, v18;
	[tilespmem:s31+$0x70] =	vst v24  }
0x153: {  	v21 =	vadd.f32 v43, v16;
	v58 =	vmul.f32 v57, v19;
	[tilespmem:s31+$0x80] =	vst v56  }
0x154: {  	v59 =	vmul.f32 v57, v18;
	v23 =	vadd.f32 v23, v16;
	[tilespmem:s31+$0xFFFFFFB0] =	vst v22  }
0x155: {  	v22 =	vmul.f32 v41, v18;
	[tilespmem:s31+$0x10] =	vst v21;
	v61 =	vadd.f32 v58, v17  }
0x156: {  	v53 =	vbroadcast v20, $0xD;
	v63 =	vadd.f32 v59, v16;
	[tilespmem:s31+$0xFFFFFFD0] =	vst v23;
	v23 =	vmul.f32 v45, v18  }
0x157: {  	v21 =	vmul.f32 v50, v18;
	v22 =	vadd.f32 v22, v16;
	[tilespmem:s31+$0xC0] =	vst v61  }
0x158: {  	v55 =	vmul.f32 v53, v19;
	v20 =	vbroadcast v20, $0xF;
	[tilespmem:s31+$0xD0] =	vst v63;
	v23 =	vadd.f32 v23, v16  }
0x159: {  	v21 =	vadd.f32 v21, v16;
	[tilespmem:s31+$0x30] =	vst v22;
	v22 =	vmul.f32 v53, v18  }
0x15a: {  	v60 =	vmul.f32 v20, v19;
	[tilespmem:s31+$0x50] =	vst v23;
	v23 =	vadd.f32 v55, v17  }
0x15b: {  	v62 =	vmul.f32 v20, v18;
	[tilespmem:s31+$0x90] =	vst v21;
	v22 =	vadd.f32 v22, v16  }
0x15c: {  	v17 =	vadd.f32 v60, v17;
	[tilespmem:s31+$0xA0] =	vst v23  }
0x15d: {  	s0 =	sadd.s32 s11, s29;
	s28 =	sadd.s32 $0x1, s28;
	v16 =	vadd.f32 v62, v16;
	[tilespmem:s31+$0xB0] =	vst v22  }
0x15e: {  	s0 =	sshrl.u32 s0, $0x3;
	p0 =	sne.s32 s28, $0xD;
	[tilespmem:s31+$0xE0] =	vst v17  }
.Ltmp3:
0x15f: {  	s0 =	sadd.s32 s7, s0;
	[tilespmem:s31+$0xF0] =	vst v16;
	(pc) =	sbr.rel @p0 .LBB2_6-.Ltmp3, $4  }
0x160: {  	[hbm4b:s0+s24] =	stream.strided.scatter [tilespmem:s22], [sflag:$0x2], $0x1000, s25, s24, $0x38;
	[tilespmem:$0x33C0] =	vst v63  }
0x161: {  	_ =	swait.ge [sflag:s15], $0x1000  }
0x162: {  	[sflag:s15] =	ssyncset.done $0x0  }
0x163: {  	[sflag:s15] =	ssyncadd.s32 $0xFFFFF000  }
0x164: {  	s26 =	sadd.s32 $0x1, s26  }
0x165: {  	p0 =	sne.s32 s26, s12  }
.Ltmp4:
0x166: {  	_ = 	snop;
	(pc) =	sbr.rel @p0 .LBB2_1-.Ltmp4, $1  }
0x167: {  	_ =	sdelay $0x3  }
0x168: {  	_ =	sfence.sel $0x180000  }
0x169: {  	[bflag:$0x0] =	sbarrier.arrive $0xFFFF  }
0x16a: {  	_ =	strace $0x90000047  }
0x16b: {  	s0 =	stileid.u32;
	[bflag:$0x2] =	sbarrier.arrive $0xFFFF  }
0x16c: {  	p0 =	sne.s32 s0, $0x0;
	s0 =	rddreg [dreg:$0x3]  }
0x16d: {  	s0 =	sadd.s32 @!p0 $0x100000, s0  }
0x16e: {  	[sflag:s0] =	ssyncadd.tile.s32 @!p0 $0x1;
	_ =	shalt  }
.Lfunc_end2:
_tile_overlayer_lowered:
.L_overlay_start_2:
0x16f: {  	(tag) =	ssettag $0x2  }
0x170: {  	s0 =	rddreg [dreg:$0x0];
	s2 =	stileid.u32  }
0x171: {  	s1 =	rddreg [dreg:$0x1];
	p0 =	sne.s32 s2, $0x0  }
0x172: {  	s3 =	rddreg [dreg:$0x2];
	[bflag:$0x3] =	sbarrier.arrive $0xFFFF;
	s2 =	simm.s32 @!p0 $0x1C02  }
0x173: {  	[timem:s3], [sflag:s2] =	dma.local @!p0 [hbm:s0], s1  }
0x174: {  	s0 =	simm.s32 @!p0 $0x2  }
0x175: {  	_ =	swait.ge @!p0 [sflag:s0], s1  }
0x176: {  	s1 =	ssub.s32 @!p0 $0x0, s1;
	[sflag:s0] =	ssyncset.done @!p0 $0x0  }
0x177: {  	[sflag:s0] =	ssyncadd.s32 @!p0 s1  }
0x178: {  	[bflag:$0x3] =	sbarrier.arrive $0xFFFF  }
0x179: {  	_ =	shalt  }

</sc_bundles>
